<compile_context>
chip_gen: v7x
topology: tpu7x:2x2x1
jax: 0.10.2.dev20260603
libtpu: 0.0.44.dev20260713+nightly
codegen_flags: <defaults>
</compile_context>

<pallas_src>
import functools

import jax
import jax.numpy as jnp
from jax import lax
from jax.experimental import pallas as pl
from jax.experimental.pallas import tpu as pltpu
from jax.experimental.pallas import tpu_sc as plsc

N = 10000
E = 320000
D = 128

NC = 2
NS = 16
NW = NC * NS
EW = E // NW
CH = 40
NCHUNK = EW // CH
NPAIR = NCHUNK // 2
ZCH = 80
NZ = N // ZCH

_sc_mesh = plsc.VectorSubcoreMesh(core_axis_name="c", subcore_axis_name="s")


def _tables_body(nf_ref, w1_ref, w3_ref, be_ref, p_ref, q_ref):
    nf = nf_ref[...]
    p_ref[...] = jnp.dot(nf, w1_ref[...],
                         preferred_element_type=jnp.float32) + be_ref[...]
    q_ref[...] = jnp.dot(nf, w3_ref[...], preferred_element_type=jnp.float32)


def _tables(nf, w1, w3, be):
    return pl.pallas_call(
        _tables_body,
        out_shape=(jax.ShapeDtypeStruct((N, D), jnp.float32),
                   jax.ShapeDtypeStruct((N, D), jnp.float32)),
    )(nf, w1, w3, be)


@functools.partial(
    pl.kernel,
    out_type=jax.ShapeDtypeStruct((E, D), jnp.float32),
    mesh=_sc_mesh,
    scratch_types=[
        pltpu.VMEM((NCHUNK, CH), jnp.int32),
        pltpu.VMEM((NCHUNK, CH), jnp.int32),
        pltpu.VMEM((CH, D), jnp.float32),
        pltpu.VMEM((CH, D), jnp.float32),
        pltpu.VMEM((CH, D), jnp.float32),
        pltpu.VMEM((CH, D), jnp.float32),
        pltpu.VMEM((CH, D), jnp.float32),
        pltpu.VMEM((CH, D), jnp.float32),
        pltpu.SemaphoreType.DMA,
        pltpu.SemaphoreType.DMA,
        pltpu.SemaphoreType.DMA,
        pltpu.SemaphoreType.DMA,
        pltpu.SemaphoreType.DMA,
        pltpu.SemaphoreType.DMA,
    ],
)
def _gather(p_hbm, q_hbm, eidx_hbm, s_hbm,
            sidx_v, didx_v, pb0, pb1, qb0, qb1, sb0, sb1,
            gp0, gp1, gq0, gq1, w0, w1):
    c = lax.axis_index("c")
    s = lax.axis_index("s")
    wid = s * NC + c
    base = wid * EW

    pltpu.sync_copy(eidx_hbm.at[0, wid], sidx_v)
    pltpu.sync_copy(eidx_hbm.at[1, wid], didx_v)

    pltpu.async_copy(p_hbm.at[sidx_v.at[0]], pb0, gp0)
    pltpu.async_copy(q_hbm.at[didx_v.at[0]], qb0, gq0)

    def _add_rows(dst, a, b):
        @pl.loop(0, CH)
        def _row(i):
            for j in range(D // 16):
                sl = pl.ds(j * 16, 16)
                dst[i, sl] = a[i, sl] + b[i, sl]

    @pl.loop(0, NPAIR)
    def _pair(t):
        i0 = t * 2
        i1 = i0 + 1
        pltpu.make_async_copy(p_hbm.at[sidx_v.at[i0]], pb0, gp0).wait()
        pltpu.make_async_copy(q_hbm.at[didx_v.at[i0]], qb0, gq0).wait()
        pltpu.async_copy(p_hbm.at[sidx_v.at[i1]], pb1, gp1)
        pltpu.async_copy(q_hbm.at[didx_v.at[i1]], qb1, gq1)

        @pl.when(t > 0)
        def _drain_w0():
            pltpu.make_async_copy(sb0, s_hbm.at[pl.ds(base, CH)], w0).wait()

        _add_rows(sb0, pb0, qb0)
        pltpu.async_copy(sb0, s_hbm.at[pl.ds(base + i0 * CH, CH)], w0)

        pltpu.make_async_copy(p_hbm.at[sidx_v.at[i1]], pb1, gp1).wait()
        pltpu.make_async_copy(q_hbm.at[didx_v.at[i1]], qb1, gq1).wait()

        @pl.when(t + 1 < NPAIR)
        def _prefetch_next():
            i2 = i0 + 2
            pltpu.async_copy(p_hbm.at[sidx_v.at[i2]], pb0, gp0)
            pltpu.async_copy(q_hbm.at[didx_v.at[i2]], qb0, gq0)

        @pl.when(t > 0)
        def _drain_w1():
            pltpu.make_async_copy(sb1, s_hbm.at[pl.ds(base, CH)], w1).wait()

        _add_rows(sb1, pb1, qb1)
        pltpu.async_copy(sb1, s_hbm.at[pl.ds(base + i1 * CH, CH)], w1)

    pltpu.make_async_copy(sb0, s_hbm.at[pl.ds(base, CH)], w0).wait()
    pltpu.make_async_copy(sb1, s_hbm.at[pl.ds(base, CH)], w1).wait()


@functools.partial(
    pl.kernel,
    out_type=jax.ShapeDtypeStruct((NW, N), jnp.float32),
    mesh=_sc_mesh,
    compiler_params=pltpu.CompilerParams(needs_layout_passes=False),
    scratch_types=[
        pltpu.VMEM((EW,), jnp.int32),
        pltpu.VMEM((N,), jnp.float32),
    ],
)
def _count(dst_hbm, cnts_hbm, idx_v, hist_v):
    c = lax.axis_index("c")
    s = lax.axis_index("s")
    wid = s * NC + c

    @pl.loop(0, N // 16)
    def _zero(i):
        hist_v[pl.ds(i * 16, 16)] = jnp.zeros((16,), jnp.float32)

    pltpu.sync_copy(dst_hbm.at[wid], idx_v)

    @pl.loop(0, EW // 16)
    def _step(j):
        v = idx_v[pl.ds(j * 16, 16)]
        cnt, last = plsc.scan_count(v)
        val = cnt.astype(jnp.float32)
        plsc.addupdate_scatter(hist_v, [v], val, mask=last)

    pltpu.sync_copy(hist_v, cnts_hbm.at[wid])


EB = 8000


def _edge_body(s_ref, ef_ref, w2_ref, m_ref, mo_ref):
    ef = ef_ref[...]
    acc = s_ref[...] + jnp.dot(
        ef, w2_ref[...], preferred_element_type=jnp.float32)
    m = jnp.maximum(acc, 0.0)
    m_ref[...] = m
    mo_ref[...] = m + ef


def _edge(sv, ef, w2):
    blk = pl.BlockSpec((EB, D), lambda i: (i, 0))
    wblk = pl.BlockSpec((D, D), lambda i: (0, 0))
    return pl.pallas_call(
        _edge_body,
        grid=(E // EB,),
        in_specs=[blk, blk, wblk],
        out_specs=[blk, blk],
        out_shape=(jax.ShapeDtypeStruct((E, D), jnp.float32),
                   jax.ShapeDtypeStruct((E, D), jnp.float32)),
    )(sv, ef, w2)


@functools.partial(
    pl.kernel,
    out_type=jax.ShapeDtypeStruct((NC, N, D), jnp.float32),
    mesh=_sc_mesh,
    scratch_types=[
        pltpu.VMEM((CH,), jnp.int32),
        pltpu.VMEM((CH,), jnp.int32),
        pltpu.VMEM((CH, D), jnp.float32),
        pltpu.VMEM((CH, D), jnp.float32),
        pltpu.VMEM((ZCH, D), jnp.float32),
        pltpu.VMEM_SHARED((N, D), jnp.float32),
        pltpu.SemaphoreType.DMA,
        pltpu.SemaphoreType.DMA,
        pltpu.SemaphoreType.DMA,
        pltpu.SemaphoreType.DMA,
        pltpu.SemaphoreType.DMA,
        pltpu.SemaphoreType.DMA,
    ],
)
def _scatter(m_hbm, dst_hbm, sums_hbm,
             cidx0, cidx1, rb0, rb1, zrow_v, acc_sh,
             xi0, xi1, r0, r1, sc0, sc1):
    c = lax.axis_index("c")
    s = lax.axis_index("s")
    wid = s * NC + c

    @pl.loop(0, ZCH)
    def _fill_z(i):
        @pl.loop(0, D // 16)
        def _fill_zj(j):
            zrow_v[i, pl.ds(j * 16, 16)] = jnp.zeros((16,), jnp.float32)

    @pl.loop(0, (NZ + NS - 1) // NS)
    def _zero(t):
        k = t * NS + s

        @pl.when(k < NZ)
        def _():
            pltpu.sync_copy(zrow_v, acc_sh.at[pl.ds(k * ZCH, ZCH)])

    plsc.subcore_barrier()

    pltpu.async_copy(dst_hbm.at[wid, 0], cidx0, xi0)
    pltpu.async_copy(m_hbm.at[wid, 0], rb0, r0)

    @pl.loop(0, NPAIR)
    def _pair(t):
        i0 = t * 2
        i1 = i0 + 1
        pltpu.make_async_copy(dst_hbm.at[wid, i0], cidx0, xi0).wait()
        pltpu.make_async_copy(m_hbm.at[wid, i0], rb0, r0).wait()

        @pl.when(t > 0)
        def _drain_prev():
            pltpu.make_async_copy(rb1, acc_sh.at[cidx1], sc1).wait()

        pltpu.async_copy(dst_hbm.at[wid, i1], cidx1, xi1)
        pltpu.async_copy(m_hbm.at[wid, i1], rb1, r1)
        cs0 = pltpu.async_copy(rb0, acc_sh.at[cidx0], sc0, add=True)

        pltpu.make_async_copy(dst_hbm.at[wid, i1], cidx1, xi1).wait()
        pltpu.make_async_copy(m_hbm.at[wid, i1], rb1, r1).wait()
        cs0.wait()

        @pl.when(t + 1 < NPAIR)
        def _prefetch_next():
            i2 = i0 + 2
            pltpu.async_copy(dst_hbm.at[wid, i2], cidx0, xi0)
            pltpu.async_copy(m_hbm.at[wid, i2], rb0, r0)

        pltpu.async_copy(rb1, acc_sh.at[cidx1], sc1, add=True)

    pltpu.make_async_copy(rb1, acc_sh.at[cidx1], sc1).wait()

    plsc.subcore_barrier()

    @pl.loop(0, (NZ + NS - 1) // NS)
    def _writeback(t):
        k = t * NS + s

        @pl.when(k < NZ)
        def _():
            off = k * ZCH
            pltpu.sync_copy(acc_sh.at[pl.ds(off, ZCH)],
                            sums_hbm.at[c, pl.ds(off, ZCH)])


def _node_body(nf_ref, sums_ref, cnts_ref, wn1_ref, wn2_ref, bn_ref, out_ref):
    nf = nf_ref[...]
    sums = sums_ref[0] + sums_ref[1]
    cnt = jnp.sum(cnts_ref[...], axis=0).reshape(N, 1)
    hagg = sums / jnp.maximum(cnt, 1.0)
    acc = (jnp.dot(nf, wn1_ref[...], preferred_element_type=jnp.float32)
           + jnp.dot(hagg, wn2_ref[...], preferred_element_type=jnp.float32)
           + bn_ref[...])
    out_ref[...] = jnp.maximum(acc, 0.0) + nf


def _node(nf, sums, cnts, wn1, wn2, bn):
    return pl.pallas_call(
        _node_body,
        out_shape=jax.ShapeDtypeStruct((N, D), jnp.float32),
    )(nf, sums, cnts, wn1, wn2, bn)


def kernel(nfeats, efeats, edge_index, W_e, b_e, W_n, b_n):
    w1 = W_e[:D]
    w2 = W_e[D:2 * D]
    w3 = W_e[2 * D:]
    wn1 = W_n[:D]
    wn2 = W_n[D:]
    be = b_e.reshape(1, D)
    bn = b_n.reshape(1, D)

    p, q = _tables(nfeats, w1, w3, be)
    eidx = edge_index.reshape(2, NW, NCHUNK, CH)
    sv = _gather(p, q, eidx)
    cnts = _count(edge_index[1].reshape(NW, EW))
    m, m_out = _edge(sv, efeats, w2)
    sums = _scatter(m.reshape(NW, NCHUNK, CH, D), eidx[1])
    h = _node(nfeats, sums, cnts, wn1, wn2, bn)
    return (h, m_out)

# --- scband reference (transcript-rebuilt; emitter-appended) ---
"""Pipeline reference for scband-gcnlayer-edge-cat-20486994002066 (READ-ONLY COPY).

The authoritative reference and input builder live on the scoring server;
editing this copy changes nothing except your own understanding.
"""

import jax, jax.numpy as jnp
import numpy as np

N = 10000
E = 320000
D = 128

def setup_inputs(seed: int = 0) -> dict:
    key = jax.random.key(seed)
    k1, k2, k3, k4, k5 = jax.random.split(key, 5)
    nfeats = jax.random.normal(k1, (N, D), dtype=jnp.float32)
    efeats = jax.random.normal(k2, (E, D), dtype=jnp.float32)
    edge_index = jax.random.randint(k3, (2, E), 0, N, dtype=jnp.int32)
    # eW: Linear(3D -> D); nW: Linear(2D -> D)
    W_e = jax.random.normal(k4, (3 * D, D), dtype=jnp.float32) * 0.02
    b_e = jnp.zeros((D,), dtype=jnp.float32)
    W_n = jax.random.normal(k5, (2 * D, D), dtype=jnp.float32) * 0.02
    b_n = jnp.zeros((D,), dtype=jnp.float32)
    return {"nfeats": nfeats, "efeats": efeats, "edge_index": edge_index,
            "W_e": W_e, "b_e": b_e, "W_n": W_n, "b_n": b_n}

def reference(nfeats, efeats, edge_index, W_e, b_e, W_n, b_n):
    src = edge_index[0]
    dst = edge_index[1]
    # msg_fn: eh = cat([src nh, edge eh, dst nh]); m = ReLU(eW(eh))
    eh = jnp.concatenate([jnp.take(nfeats, src, axis=0), efeats,
                          jnp.take(nfeats, dst, axis=0)], axis=-1)
    m = jax.nn.relu(eh @ W_e + b_e)
    # reduce_fn: fn.mean('m', 'h') -> mean of incoming messages per dst node (0 if no in-edges)
    sums = jax.ops.segment_sum(m, dst, num_segments=N)
    cnt = jax.ops.segment_sum(jnp.ones((E, 1), dtype=m.dtype), dst, num_segments=N)
    h_agg = sums / jnp.maximum(cnt, 1.0)
    # apply_fn: nh = cat([nh, h]); h = ReLU(nW(nh))
    nh = jnp.concatenate([nfeats, h_agg], axis=-1)
    h = jax.nn.relu(nh @ W_n + b_n)
    # residuals
    return (h + nfeats, m + efeats)

if __name__ == "__main__":
    import jax
    _d = setup_inputs()
    print(jax.jit(kernel)(*tuple(_d.values())))

</pallas_src>

<mosaic_0001>
#map = affine_map<(d0, d1) -> (0, 0, 0, 0)>
#map1 = affine_map<(d0, d1) -> (0, 0, 0)>
module attributes {stable_mosaic.version = 14 : i64} {
  func.func @_scatter(%arg0: i32, %arg1: i32, %arg2: memref<32x250x40x128xf32, #tpu.memory_space<hbm>>, %arg3: memref<32x250x40xi32, #tpu.memory_space<hbm>>, %arg4: memref<2x10000x128xf32, #tpu.memory_space<hbm>>, %arg5: memref<40xi32, #tpu.memory_space<vmem>>, %arg6: memref<40xi32, #tpu.memory_space<vmem>>, %arg7: memref<40x128xf32, #tpu.memory_space<vmem>>, %arg8: memref<40x128xf32, #tpu.memory_space<vmem>>, %arg9: memref<80x128xf32, #tpu.memory_space<vmem>>, %arg10: memref<10000x128xf32, #tpu.memory_space<vmem_shared>>, %arg11: memref<!tpu.dma_semaphore, #tpu.memory_space<semaphore_mem>>, %arg12: memref<!tpu.dma_semaphore, #tpu.memory_space<semaphore_mem>>, %arg13: memref<!tpu.dma_semaphore, #tpu.memory_space<semaphore_mem>>, %arg14: memref<!tpu.dma_semaphore, #tpu.memory_space<semaphore_mem>>, %arg15: memref<!tpu.dma_semaphore, #tpu.memory_space<semaphore_mem>>, %arg16: memref<!tpu.dma_semaphore, #tpu.memory_space<semaphore_mem>>) attributes {dimension_semantics = [#tpu.dimension_semantics<core_parallel>, #tpu.dimension_semantics<subcore_parallel>], iteration_bounds = array<i64: 2, 16>, scalar_prefetch = 0 : i64, scratch_operands = 12 : i64, tpu.core_type = #tpu.core_type<sc_vector_subcore>, window_params = [{transform_indices = #map}, {transform_indices = #map1}, {transform_indices = #map1}]} {
    %mul3A = arith.constant 2 : i32
    %mul3A_0 = arith.muli %arg1, %mul3A : i32
    %add3A = arith.addi %mul3A_0, %arg0 : i32
    %scan3A = arith.constant 0 : i32
    %scan3A_1 = arith.constant 80 : i32
    %scan3A_2 = arith.addi %scan3A, %scan3A_1 : i32
    %scan3A_3 = arith.constant 1 : i32
    scf.for %scan3A_38 = %scan3A to %scan3A_2 step %scan3A_3  : i32 {
      %mul3A_39 = arith.constant 1 : i32
      %mul3A_40 = arith.muli %scan3A_38, %mul3A_39 : i32
      %add3A_41 = arith.constant 0 : i32
      %add3A_42 = arith.addi %add3A_41, %mul3A_40 : i32
      %scan3A_43 = arith.constant 0 : i32
      %scan3A_44 = arith.constant 8 : i32
      %scan3A_45 = arith.addi %scan3A_43, %scan3A_44 : i32
      %scan3A_46 = arith.constant 1 : i32
      scf.for %scan3A_48 = %scan3A_43 to %scan3A_45 step %scan3A_46  : i32 {
        %mul3A_49 = arith.constant 1 : i32
        %mul3A_50 = arith.muli %scan3A_48, %mul3A_49 : i32
        %add3A_51 = arith.constant 0 : i32
        %add3A_52 = arith.addi %add3A_51, %mul3A_50 : i32
        %broadcast_in_dim3A = arith.constant 0.000000e+00 : f32
        %broadcast_in_dim3A_53 = vector.broadcast %broadcast_in_dim3A : f32 to vector<16xf32>
        %mul3A_54 = arith.constant 16 : i32
        %mul3A_55 = arith.muli %add3A_52, %mul3A_54 : i32
        %swap3A = arith.index_cast %add3A_42 : i32 to index
        %swap3A_56 = arith.index_cast %mul3A_55 : i32 to index
        %swap3A_57 = tpu.vector_load %arg9[%swap3A, %swap3A_56] {strides = array<i32>} : memref<80x128xf32, #tpu.memory_space<vmem>>, vector<1x16xf32>,
        %swap3A_58 = vector.shape_cast %swap3A_57 : vector<1x16xf32> to vector<16xf32>
        %swap3A_59 = vector.shape_cast %broadcast_in_dim3A_53 : vector<16xf32> to vector<1x16xf32>
        tpu.vector_store %arg9[%swap3A, %swap3A_56], %swap3A_59 {strides = array<i32>} : memref<80x128xf32, #tpu.memory_space<vmem>>, vector<1x16xf32>,
      }
      %scan3A_47 = arith.constant 8 : i32
    }
    %scan3A_4 = arith.constant 80 : i32
    %scan3A_5 = arith.constant 0 : i32
    %scan3A_6 = arith.constant 8 : i32
    %scan3A_7 = arith.addi %scan3A_5, %scan3A_6 : i32
    %scan3A_8 = arith.constant 1 : i32
    scf.for %scan3A_38 = %scan3A_5 to %scan3A_7 step %scan3A_8  : i32 {
      %mul3A_39 = arith.constant 1 : i32
      %mul3A_40 = arith.muli %scan3A_38, %mul3A_39 : i32
      %add3A_41 = arith.constant 0 : i32
      %add3A_42 = arith.addi %add3A_41, %mul3A_40 : i32
      %mul3A_43 = arith.constant 16 : i32
      %mul3A_44 = arith.muli %add3A_42, %mul3A_43 : i32
      %add3A_45 = arith.addi %mul3A_44, %arg1 : i32
      %lt3A = arith.constant 125 : i32
      %lt3A_46 = arith.cmpi slt, %add3A_45, %lt3A : i32
      %convert_element_type3A = arith.extui %lt3A_46 : i1 to i32
      %cond3A = arith.constant 0 : i32
      %cond3A_47 = arith.cmpi ne, %convert_element_type3A, %cond3A : i32
      scf.if %cond3A_47 {
        %mul3A_48 = arith.constant 80 : i32
        %mul3A_49 = arith.muli %add3A_45, %mul3A_48 : i32
        "tpu.region"() ({
          %run_scoped3A = tpu.sem_alloc : memref<!tpu.dma_semaphore, #tpu.memory_space<semaphore_mem>>
          %dma_start3A_50 = arith.constant 0 : i32
          %dma_start3A_51 = tpu.memref_slice %arg10[%mul3A_49, %dma_start3A_50] : memref<10000x128xf32, #tpu.memory_space<vmem_shared>> -> memref<80x128xf32, #tpu.memory_space<vmem_shared>>
          %dma_start3A_52 = arith.constant 0 : i32
          %dma_start3A_53 = tpu.memref_slice %arg10[%mul3A_49, %dma_start3A_52] : memref<10000x128xf32, #tpu.memory_space<vmem_shared>> -> memref<80x128xf32, #tpu.memory_space<vmem_shared>>
          tpu.enqueue_dma source(%arg9 : memref<80x128xf32, #tpu.memory_space<vmem>>) target(%dma_start3A_53 : memref<80x128xf32, #tpu.memory_space<vmem_shared>>) target_semaphore(%run_scoped3A : memref<!tpu.dma_semaphore, #tpu.memory_space<semaphore_mem>>)
          %dma_wait3A_54 = arith.constant 0 : i32
          %dma_wait3A_55 = tpu.memref_slice %arg10[%mul3A_49, %dma_wait3A_54] : memref<10000x128xf32, #tpu.memory_space<vmem_shared>> -> memref<80x128xf32, #tpu.memory_space<vmem_shared>>
          %dma_wait3A_56 = arith.constant 0 : i32
          %dma_wait3A_57 = tpu.memref_slice %arg10[%mul3A_49, %dma_wait3A_56] : memref<10000x128xf32, #tpu.memory_space<vmem_shared>> -> memref<80x128xf32, #tpu.memory_space<vmem_shared>>
          tpu.wait_dma2 semaphore(%run_scoped3A : memref<!tpu.dma_semaphore, #tpu.memory_space<semaphore_mem>>) src(%arg9 : memref<80x128xf32, #tpu.memory_space<vmem>>) dst(%dma_wait3A_57 : memref<80x128xf32, #tpu.memory_space<vmem_shared>>)
          tpu.yield
        }) : () -> ()
      } else {
      }
    }
    %scan3A_9 = arith.constant 8 : i32
    %barrier3A = arith.constant 0 : index
    tpu.barrier barrier_id(%barrier3A)
    %dma_start3A = arith.constant 0 : i32
    %dma_start3A_10 = arith.constant 0 : i32
    %dma_start3A_11 = tpu.memref_slice %arg3[%add3A, %dma_start3A, %dma_start3A_10] : memref<32x250x40xi32, #tpu.memory_space<hbm>> -> memref<1x1x40xi32, #tpu.memory_space<hbm>>
    %dma_start3A_12 = tpu.memref_squeeze %dma_start3A_11 : memref<1x1x40xi32, #tpu.memory_space<hbm>> -> memref<40xi32, #tpu.memory_space<hbm>>
    %dma_start3A_13 = arith.constant 0 : i32
    %dma_start3A_14 = tpu.memref_slice %arg3[%add3A, %dma_start3A, %dma_start3A_13] : memref<32x250x40xi32, #tpu.memory_space<hbm>> -> memref<1x1x40xi32, #tpu.memory_space<hbm>>
    %dma_start3A_15 = tpu.memref_squeeze %dma_start3A_14 : memref<1x1x40xi32, #tpu.memory_space<hbm>> -> memref<40xi32, #tpu.memory_space<hbm>>
    tpu.enqueue_dma source(%dma_start3A_15 : memref<40xi32, #tpu.memory_space<hbm>>) target(%arg5 : memref<40xi32, #tpu.memory_space<vmem>>) target_semaphore(%arg11 : memref<!tpu.dma_semaphore, #tpu.memory_space<semaphore_mem>>)
    %dma_start3A_16 = arith.constant 0 : i32
    %dma_start3A_17 = arith.constant 0 : i32
    %dma_start3A_18 = arith.constant 0 : i32
    %dma_start3A_19 = tpu.memref_slice %arg2[%add3A, %dma_start3A_16, %dma_start3A_17, %dma_start3A_18] : memref<32x250x40x128xf32, #tpu.memory_space<hbm>> -> memref<1x1x40x128xf32, #tpu.memory_space<hbm>>
    %dma_start3A_20 = tpu.memref_squeeze %dma_start3A_19 : memref<1x1x40x128xf32, #tpu.memory_space<hbm>> -> memref<40x128xf32, #tpu.memory_space<hbm>>
    %dma_start3A_21 = arith.constant 0 : i32
    %dma_start3A_22 = arith.constant 0 : i32
    %dma_start3A_23 = tpu.memref_slice %arg2[%add3A, %dma_start3A_16, %dma_start3A_21, %dma_start3A_22] : memref<32x250x40x128xf32, #tpu.memory_space<hbm>> -> memref<1x1x40x128xf32, #tpu.memory_space<hbm>>
    %dma_start3A_24 = tpu.memref_squeeze %dma_start3A_23 : memref<1x1x40x128xf32, #tpu.memory_space<hbm>> -> memref<40x128xf32, #tpu.memory_space<hbm>>
    tpu.enqueue_dma source(%dma_start3A_24 : memref<40x128xf32, #tpu.memory_space<hbm>>) target(%arg7 : memref<40x128xf32, #tpu.memory_space<vmem>>) target_semaphore(%arg13 : memref<!tpu.dma_semaphore, #tpu.memory_space<semaphore_mem>>)
    %scan3A_25 = arith.constant 0 : i32
    %scan3A_26 = arith.constant 125 : i32
    %scan3A_27 = arith.addi %scan3A_25, %scan3A_26 : i32
    %scan3A_28 = arith.constant 1 : i32
    scf.for %scan3A_38 = %scan3A_25 to %scan3A_27 step %scan3A_28  : i32 {
      %mul3A_39 = arith.constant 1 : i32
      %mul3A_40 = arith.muli %scan3A_38, %mul3A_39 : i32
      %add3A_41 = arith.constant 0 : i32
      %add3A_42 = arith.addi %add3A_41, %mul3A_40 : i32
      %mul3A_43 = arith.constant 2 : i32
      %mul3A_44 = arith.muli %add3A_42, %mul3A_43 : i32
      %add3A_45 = arith.constant 1 : i32
      %add3A_46 = arith.addi %mul3A_44, %add3A_45 : i32
      %dma_wait3A_47 = arith.constant 0 : i32
      %dma_wait3A_48 = tpu.memref_slice %arg3[%add3A, %mul3A_44, %dma_wait3A_47] : memref<32x250x40xi32, #tpu.memory_space<hbm>> -> memref<1x1x40xi32, #tpu.memory_space<hbm>>
      %dma_wait3A_49 = tpu.memref_squeeze %dma_wait3A_48 : memref<1x1x40xi32, #tpu.memory_space<hbm>> -> memref<40xi32, #tpu.memory_space<hbm>>
      %dma_wait3A_50 = arith.constant 0 : i32
      %dma_wait3A_51 = tpu.memref_slice %arg3[%add3A, %mul3A_44, %dma_wait3A_50] : memref<32x250x40xi32, #tpu.memory_space<hbm>> -> memref<1x1x40xi32, #tpu.memory_space<hbm>>
      %dma_wait3A_52 = tpu.memref_squeeze %dma_wait3A_51 : memref<1x1x40xi32, #tpu.memory_space<hbm>> -> memref<40xi32, #tpu.memory_space<hbm>>
      tpu.wait_dma2 semaphore(%arg11 : memref<!tpu.dma_semaphore, #tpu.memory_space<semaphore_mem>>) src(%dma_wait3A_52 : memref<40xi32, #tpu.memory_space<hbm>>) dst(%arg5 : memref<40xi32, #tpu.memory_space<vmem>>)
      %dma_wait3A_53 = arith.constant 0 : i32
      %dma_wait3A_54 = arith.constant 0 : i32
      %dma_wait3A_55 = tpu.memref_slice %arg2[%add3A, %mul3A_44, %dma_wait3A_53, %dma_wait3A_54] : memref<32x250x40x128xf32, #tpu.memory_space<hbm>> -> memref<1x1x40x128xf32, #tpu.memory_space<hbm>>
      %dma_wait3A_56 = tpu.memref_squeeze %dma_wait3A_55 : memref<1x1x40x128xf32, #tpu.memory_space<hbm>> -> memref<40x128xf32, #tpu.memory_space<hbm>>
      %dma_wait3A_57 = arith.constant 0 : i32
      %dma_wait3A_58 = arith.constant 0 : i32
      %dma_wait3A_59 = tpu.memref_slice %arg2[%add3A, %mul3A_44, %dma_wait3A_57, %dma_wait3A_58] : memref<32x250x40x128xf32, #tpu.memory_space<hbm>> -> memref<1x1x40x128xf32, #tpu.memory_space<hbm>>
      %dma_wait3A_60 = tpu.memref_squeeze %dma_wait3A_59 : memref<1x1x40x128xf32, #tpu.memory_space<hbm>> -> memref<40x128xf32, #tpu.memory_space<hbm>>
      tpu.wait_dma2 semaphore(%arg13 : memref<!tpu.dma_semaphore, #tpu.memory_space<semaphore_mem>>) src(%dma_wait3A_60 : memref<40x128xf32, #tpu.memory_space<hbm>>) dst(%arg7 : memref<40x128xf32, #tpu.memory_space<vmem>>)
      %gt3A = arith.constant 0 : i32
      %gt3A_61 = arith.cmpi sgt, %add3A_42, %gt3A : i32
      %convert_element_type3A = arith.extui %gt3A_61 : i1 to i32
      %cond3A = arith.constant 0 : i32
      %cond3A_62 = arith.cmpi ne, %convert_element_type3A, %cond3A : i32
      scf.if %cond3A_62 {
        %dma_wait3A_106 = arith.constant 0 : i32
        %dma_wait3A_107 = arith.constant 0 : i32
        %dma_wait3A_108 = tpu.memref_slice %arg10[%dma_wait3A_106, %dma_wait3A_107] : memref<10000x128xf32, #tpu.memory_space<vmem_shared>> -> memref<10000x128xf32, #tpu.memory_space<vmem_shared>>
        tpu.wait_indirect_dma semaphore(%arg16 : memref<!tpu.dma_semaphore, #tpu.memory_space<semaphore_mem>>) src(%arg8 : memref<40x128xf32, #tpu.memory_space<vmem>>) dst(%dma_wait3A_108 : memref<10000x128xf32, #tpu.memory_space<vmem_shared>>)
      } else {
      }
      %dma_start3A_63 = arith.constant 0 : i32
      %dma_start3A_64 = tpu.memref_slice %arg3[%add3A, %add3A_46, %dma_start3A_63] : memref<32x250x40xi32, #tpu.memory_space<hbm>> -> memref<1x1x40xi32, #tpu.memory_space<hbm>>
      %dma_start3A_65 = tpu.memref_squeeze %dma_start3A_64 : memref<1x1x40xi32, #tpu.memory_space<hbm>> -> memref<40xi32, #tpu.memory_space<hbm>>
      %dma_start3A_66 = arith.constant 0 : i32
      %dma_start3A_67 = tpu.memref_slice %arg3[%add3A, %add3A_46, %dma_start3A_66] : memref<32x250x40xi32, #tpu.memory_space<hbm>> -> memref<1x1x40xi32, #tpu.memory_space<hbm>>
      %dma_start3A_68 = tpu.memref_squeeze %dma_start3A_67 : memref<1x1x40xi32, #tpu.memory_space<hbm>> -> memref<40xi32, #tpu.memory_space<hbm>>
      tpu.enqueue_dma source(%dma_start3A_68 : memref<40xi32, #tpu.memory_space<hbm>>) target(%arg6 : memref<40xi32, #tpu.memory_space<vmem>>) target_semaphore(%arg12 : memref<!tpu.dma_semaphore, #tpu.memory_space<semaphore_mem>>)
      %dma_start3A_69 = arith.constant 0 : i32
      %dma_start3A_70 = arith.constant 0 : i32
      %dma_start3A_71 = tpu.memref_slice %arg2[%add3A, %add3A_46, %dma_start3A_69, %dma_start3A_70] : memref<32x250x40x128xf32, #tpu.memory_space<hbm>> -> memref<1x1x40x128xf32, #tpu.memory_space<hbm>>
      %dma_start3A_72 = tpu.memref_squeeze %dma_start3A_71 : memref<1x1x40x128xf32, #tpu.memory_space<hbm>> -> memref<40x128xf32, #tpu.memory_space<hbm>>
      %dma_start3A_73 = arith.constant 0 : i32
      %dma_start3A_74 = arith.constant 0 : i32
      %dma_start3A_75 = tpu.memref_slice %arg2[%add3A, %add3A_46, %dma_start3A_73, %dma_start3A_74] : memref<32x250x40x128xf32, #tpu.memory_space<hbm>> -> memref<1x1x40x128xf32, #tpu.memory_space<hbm>>
      %dma_start3A_76 = tpu.memref_squeeze %dma_start3A_75 : memref<1x1x40x128xf32, #tpu.memory_space<hbm>> -> memref<40x128xf32, #tpu.memory_space<hbm>>
      tpu.enqueue_dma source(%dma_start3A_76 : memref<40x128xf32, #tpu.memory_space<hbm>>) target(%arg8 : memref<40x128xf32, #tpu.memory_space<vmem>>) target_semaphore(%arg14 : memref<!tpu.dma_semaphore, #tpu.memory_space<semaphore_mem>>)
      %dma_start3A_77 = arith.constant 0 : i32
      %dma_start3A_78 = arith.constant 0 : i32
      %dma_start3A_79 = tpu.memref_slice %arg10[%dma_start3A_77, %dma_start3A_78] : memref<10000x128xf32, #tpu.memory_space<vmem_shared>> -> memref<10000x128xf32, #tpu.memory_space<vmem_shared>>
      tpu.enqueue_indirect_dma source(%arg7 : memref<40x128xf32, #tpu.memory_space<vmem>>) target(%dma_start3A_79 : memref<10000x128xf32, #tpu.memory_space<vmem_shared>>) offsets(%arg5 : memref<40xi32, #tpu.memory_space<vmem>>) semaphore(%arg15 : memref<!tpu.dma_semaphore, #tpu.memory_space<semaphore_mem>>) {add = true}
      %dma_wait3A_80 = arith.constant 0 : i32
      %dma_wait3A_81 = tpu.memref_slice %arg3[%add3A, %add3A_46, %dma_wait3A_80] : memref<32x250x40xi32, #tpu.memory_space<hbm>> -> memref<1x1x40xi32, #tpu.memory_space<hbm>>
      %dma_wait3A_82 = tpu.memref_squeeze %dma_wait3A_81 : memref<1x1x40xi32, #tpu.memory_space<hbm>> -> memref<40xi32, #tpu.memory_space<hbm>>
      %dma_wait3A_83 = arith.constant 0 : i32
      %dma_wait3A_84 = tpu.memref_slice %arg3[%add3A, %add3A_46, %dma_wait3A_83] : memref<32x250x40xi32, #tpu.memory_space<hbm>> -> memref<1x1x40xi32, #tpu.memory_space<hbm>>
      %dma_wait3A_85 = tpu.memref_squeeze %dma_wait3A_84 : memref<1x1x40xi32, #tpu.memory_space<hbm>> -> memref<40xi32, #tpu.memory_space<hbm>>
      tpu.wait_dma2 semaphore(%arg12 : memref<!tpu.dma_semaphore, #tpu.memory_space<semaphore_mem>>) src(%dma_wait3A_85 : memref<40xi32, #tpu.memory_space<hbm>>) dst(%arg6 : memref<40xi32, #tpu.memory_space<vmem>>)
      %dma_wait3A_86 = arith.constant 0 : i32
      %dma_wait3A_87 = arith.constant 0 : i32
      %dma_wait3A_88 = tpu.memref_slice %arg2[%add3A, %add3A_46, %dma_wait3A_86, %dma_wait3A_87] : memref<32x250x40x128xf32, #tpu.memory_space<hbm>> -> memref<1x1x40x128xf32, #tpu.memory_space<hbm>>
      %dma_wait3A_89 = tpu.memref_squeeze %dma_wait3A_88 : memref<1x1x40x128xf32, #tpu.memory_space<hbm>> -> memref<40x128xf32, #tpu.memory_space<hbm>>
      %dma_wait3A_90 = arith.constant 0 : i32
      %dma_wait3A_91 = arith.constant 0 : i32
      %dma_wait3A_92 = tpu.memref_slice %arg2[%add3A, %add3A_46, %dma_wait3A_90, %dma_wait3A_91] : memref<32x250x40x128xf32, #tpu.memory_space<hbm>> -> memref<1x1x40x128xf32, #tpu.memory_space<hbm>>
      %dma_wait3A_93 = tpu.memref_squeeze %dma_wait3A_92 : memref<1x1x40x128xf32, #tpu.memory_space<hbm>> -> memref<40x128xf32, #tpu.memory_space<hbm>>
      tpu.wait_dma2 semaphore(%arg14 : memref<!tpu.dma_semaphore, #tpu.memory_space<semaphore_mem>>) src(%dma_wait3A_93 : memref<40x128xf32, #tpu.memory_space<hbm>>) dst(%arg8 : memref<40x128xf32, #tpu.memory_space<vmem>>)
      %dma_wait3A_94 = arith.constant 0 : i32
      %dma_wait3A_95 = arith.constant 0 : i32
      %dma_wait3A_96 = tpu.memref_slice %arg10[%dma_wait3A_94, %dma_wait3A_95] : memref<10000x128xf32, #tpu.memory_space<vmem_shared>> -> memref<10000x128xf32, #tpu.memory_space<vmem_shared>>
      tpu.wait_indirect_dma semaphore(%arg15 : memref<!tpu.dma_semaphore, #tpu.memory_space<semaphore_mem>>) src(%arg7 : memref<40x128xf32, #tpu.memory_space<vmem>>) dst(%dma_wait3A_96 : memref<10000x128xf32, #tpu.memory_space<vmem_shared>>)
      %add3A_97 = arith.constant 1 : i32
      %add3A_98 = arith.addi %add3A_42, %add3A_97 : i32
      %lt3A = arith.constant 125 : i32
      %lt3A_99 = arith.cmpi slt, %add3A_98, %lt3A : i32
      %convert_element_type3A_100 = arith.extui %lt3A_99 : i1 to i32
      %cond3A_101 = arith.constant 0 : i32
      %cond3A_102 = arith.cmpi ne, %convert_element_type3A_100, %cond3A_101 : i32
      scf.if %cond3A_102 {
        %add3A_106 = arith.constant 2 : i32
        %add3A_107 = arith.addi %mul3A_44, %add3A_106 : i32
        %dma_start3A_108 = arith.constant 0 : i32
        %dma_start3A_109 = tpu.memref_slice %arg3[%add3A, %add3A_107, %dma_start3A_108] : memref<32x250x40xi32, #tpu.memory_space<hbm>> -> memref<1x1x40xi32, #tpu.memory_space<hbm>>
        %dma_start3A_110 = tpu.memref_squeeze %dma_start3A_109 : memref<1x1x40xi32, #tpu.memory_space<hbm>> -> memref<40xi32, #tpu.memory_space<hbm>>
        %dma_start3A_111 = arith.constant 0 : i32
        %dma_start3A_112 = tpu.memref_slice %arg3[%add3A, %add3A_107, %dma_start3A_111] : memref<32x250x40xi32, #tpu.memory_space<hbm>> -> memref<1x1x40xi32, #tpu.memory_space<hbm>>
        %dma_start3A_113 = tpu.memref_squeeze %dma_start3A_112 : memref<1x1x40xi32, #tpu.memory_space<hbm>> -> memref<40xi32, #tpu.memory_space<hbm>>
        tpu.enqueue_dma source(%dma_start3A_113 : memref<40xi32, #tpu.memory_space<hbm>>) target(%arg5 : memref<40xi32, #tpu.memory_space<vmem>>) target_semaphore(%arg11 : memref<!tpu.dma_semaphore, #tpu.memory_space<semaphore_mem>>)
        %dma_start3A_114 = arith.constant 0 : i32
        %dma_start3A_115 = arith.constant 0 : i32
        %dma_start3A_116 = tpu.memref_slice %arg2[%add3A, %add3A_107, %dma_start3A_114, %dma_start3A_115] : memref<32x250x40x128xf32, #tpu.memory_space<hbm>> -> memref<1x1x40x128xf32, #tpu.memory_space<hbm>>
        %dma_start3A_117 = tpu.memref_squeeze %dma_start3A_116 : memref<1x1x40x128xf32, #tpu.memory_space<hbm>> -> memref<40x128xf32, #tpu.memory_space<hbm>>
        %dma_start3A_118 = arith.constant 0 : i32
        %dma_start3A_119 = arith.constant 0 : i32
        %dma_start3A_120 = tpu.memref_slice %arg2[%add3A, %add3A_107, %dma_start3A_118, %dma_start3A_119] : memref<32x250x40x128xf32, #tpu.memory_space<hbm>> -> memref<1x1x40x128xf32, #tpu.memory_space<hbm>>
        %dma_start3A_121 = tpu.memref_squeeze %dma_start3A_120 : memref<1x1x40x128xf32, #tpu.memory_space<hbm>> -> memref<40x128xf32, #tpu.memory_space<hbm>>
        tpu.enqueue_dma source(%dma_start3A_121 : memref<40x128xf32, #tpu.memory_space<hbm>>) target(%arg7 : memref<40x128xf32, #tpu.memory_space<vmem>>) target_semaphore(%arg13 : memref<!tpu.dma_semaphore, #tpu.memory_space<semaphore_mem>>)
      } else {
      }
      %dma_start3A_103 = arith.constant 0 : i32
      %dma_start3A_104 = arith.constant 0 : i32
      %dma_start3A_105 = tpu.memref_slice %arg10[%dma_start3A_103, %dma_start3A_104] : memref<10000x128xf32, #tpu.memory_space<vmem_shared>> -> memref<10000x128xf32, #tpu.memory_space<vmem_shared>>
      tpu.enqueue_indirect_dma source(%arg8 : memref<40x128xf32, #tpu.memory_space<vmem>>) target(%dma_start3A_105 : memref<10000x128xf32, #tpu.memory_space<vmem_shared>>) offsets(%arg6 : memref<40xi32, #tpu.memory_space<vmem>>) semaphore(%arg16 : memref<!tpu.dma_semaphore, #tpu.memory_space<semaphore_mem>>) {add = true}
    }
    %scan3A_29 = arith.constant 125 : i32
    %dma_wait3A = arith.constant 0 : i32
    %dma_wait3A_30 = arith.constant 0 : i32
    %dma_wait3A_31 = tpu.memref_slice %arg10[%dma_wait3A, %dma_wait3A_30] : memref<10000x128xf32, #tpu.memory_space<vmem_shared>> -> memref<10000x128xf32, #tpu.memory_space<vmem_shared>>
    tpu.wait_indirect_dma semaphore(%arg16 : memref<!tpu.dma_semaphore, #tpu.memory_space<semaphore_mem>>) src(%arg8 : memref<40x128xf32, #tpu.memory_space<vmem>>) dst(%dma_wait3A_31 : memref<10000x128xf32, #tpu.memory_space<vmem_shared>>)
    %barrier3A_32 = arith.constant 0 : index
    tpu.barrier barrier_id(%barrier3A_32)
    %scan3A_33 = arith.constant 0 : i32
    %scan3A_34 = arith.constant 8 : i32
    %scan3A_35 = arith.addi %scan3A_33, %scan3A_34 : i32
    %scan3A_36 = arith.constant 1 : i32
    scf.for %scan3A_38 = %scan3A_33 to %scan3A_35 step %scan3A_36  : i32 {
      %mul3A_39 = arith.constant 1 : i32
      %mul3A_40 = arith.muli %scan3A_38, %mul3A_39 : i32
      %add3A_41 = arith.constant 0 : i32
      %add3A_42 = arith.addi %add3A_41, %mul3A_40 : i32
      %mul3A_43 = arith.constant 16 : i32
      %mul3A_44 = arith.muli %add3A_42, %mul3A_43 : i32
      %add3A_45 = arith.addi %mul3A_44, %arg1 : i32
      %lt3A = arith.constant 125 : i32
      %lt3A_46 = arith.cmpi slt, %add3A_45, %lt3A : i32
      %convert_element_type3A = arith.extui %lt3A_46 : i1 to i32
      %cond3A = arith.constant 0 : i32
      %cond3A_47 = arith.cmpi ne, %convert_element_type3A, %cond3A : i32
      scf.if %cond3A_47 {
        %mul3A_48 = arith.constant 80 : i32
        %mul3A_49 = arith.muli %add3A_45, %mul3A_48 : i32
        "tpu.region"() ({
          %run_scoped3A = tpu.sem_alloc : memref<!tpu.dma_semaphore, #tpu.memory_space<semaphore_mem>>
          %dma_start3A_50 = arith.constant 0 : i32
          %dma_start3A_51 = tpu.memref_slice %arg4[%arg0, %mul3A_49, %dma_start3A_50] : memref<2x10000x128xf32, #tpu.memory_space<hbm>> -> memref<1x80x128xf32, #tpu.memory_space<hbm>>
          %dma_start3A_52 = tpu.memref_squeeze %dma_start3A_51 : memref<1x80x128xf32, #tpu.memory_space<hbm>> -> memref<80x128xf32, #tpu.memory_space<hbm>>
          %dma_start3A_53 = arith.constant 0 : i32
          %dma_start3A_54 = tpu.memref_slice %arg10[%mul3A_49, %dma_start3A_53] : memref<10000x128xf32, #tpu.memory_space<vmem_shared>> -> memref<80x128xf32, #tpu.memory_space<vmem_shared>>
          tpu.enqueue_dma source(%dma_start3A_54 : memref<80x128xf32, #tpu.memory_space<vmem_shared>>) target(%dma_start3A_52 : memref<80x128xf32, #tpu.memory_space<hbm>>) target_semaphore(%run_scoped3A : memref<!tpu.dma_semaphore, #tpu.memory_space<semaphore_mem>>)
          %dma_wait3A_55 = arith.constant 0 : i32
          %dma_wait3A_56 = tpu.memref_slice %arg4[%arg0, %mul3A_49, %dma_wait3A_55] : memref<2x10000x128xf32, #tpu.memory_space<hbm>> -> memref<1x80x128xf32, #tpu.memory_space<hbm>>
          %dma_wait3A_57 = tpu.memref_squeeze %dma_wait3A_56 : memref<1x80x128xf32, #tpu.memory_space<hbm>> -> memref<80x128xf32, #tpu.memory_space<hbm>>
          %dma_wait3A_58 = arith.constant 0 : i32
          %dma_wait3A_59 = tpu.memref_slice %arg10[%mul3A_49, %dma_wait3A_58] : memref<10000x128xf32, #tpu.memory_space<vmem_shared>> -> memref<80x128xf32, #tpu.memory_space<vmem_shared>>
          tpu.wait_dma2 semaphore(%run_scoped3A : memref<!tpu.dma_semaphore, #tpu.memory_space<semaphore_mem>>) src(%dma_wait3A_59 : memref<80x128xf32, #tpu.memory_space<vmem_shared>>) dst(%dma_wait3A_57 : memref<80x128xf32, #tpu.memory_space<hbm>>)
          tpu.yield
        }) : () -> ()
      } else {
      }
    }
    %scan3A_37 = arith.constant 8 : i32
    return
  }
}

#map = affine_map<(d0, d1) -> (0, 0)>
module attributes {stable_mosaic.version = 14 : i64} {
  func.func @_count(%arg0: i32, %arg1: i32, %arg2: memref<32x10000xi32, #tpu.memory_space<hbm>>, %arg3: memref<32x10000xf32, #tpu.memory_space<hbm>>, %arg4: memref<10000xi32, #tpu.memory_space<vmem>>, %arg5: memref<10000xf32, #tpu.memory_space<vmem>>) attributes {dimension_semantics = [#tpu.dimension_semantics<core_parallel>, #tpu.dimension_semantics<subcore_parallel>], iteration_bounds = array<i64: 2, 16>, scalar_prefetch = 0 : i64, scratch_operands = 2 : i64, tpu.core_type = #tpu.core_type<sc_vector_subcore>, window_params = [{transform_indices = #map}, {transform_indices = #map}]} {
    %mul3A = arith.constant 2 : i32
    %mul3A_0 = arith.muli %arg1, %mul3A : i32
    %add3A = arith.addi %mul3A_0, %arg0 : i32
    %scan3A = arith.constant 0 : i32
    %scan3A_1 = arith.constant 625 : i32
    %scan3A_2 = arith.addi %scan3A, %scan3A_1 : i32
    %scan3A_3 = arith.constant 1 : i32
    scf.for %scan3A_10 = %scan3A to %scan3A_2 step %scan3A_3  : i32 {
      %mul3A_11 = arith.constant 1 : i32
      %mul3A_12 = arith.muli %scan3A_10, %mul3A_11 : i32
      %add3A_13 = arith.constant 0 : i32
      %add3A_14 = arith.addi %add3A_13, %mul3A_12 : i32
      %broadcast_in_dim3A = arith.constant 0.000000e+00 : f32
      %broadcast_in_dim3A_15 = vector.broadcast %broadcast_in_dim3A : f32 to vector<16xf32>
      %mul3A_16 = arith.constant 16 : i32
      %mul3A_17 = arith.muli %add3A_14, %mul3A_16 : i32
      %swap3A = arith.index_cast %mul3A_17 : i32 to index
      %swap3A_18 = tpu.vector_load %arg5[%swap3A] {strides = array<i32>} : memref<10000xf32, #tpu.memory_space<vmem>>, vector<16xf32>,
      tpu.vector_store %arg5[%swap3A], %broadcast_in_dim3A_15 {strides = array<i32>} : memref<10000xf32, #tpu.memory_space<vmem>>, vector<16xf32>,
    }
    %scan3A_4 = arith.constant 625 : i32
    "tpu.region"() ({
      %run_scoped3A = tpu.sem_alloc : memref<!tpu.dma_semaphore, #tpu.memory_space<semaphore_mem>>
      %dma_start3A = arith.constant 0 : i32
      %dma_start3A_10 = tpu.memref_slice %arg2[%add3A, %dma_start3A] : memref<32x10000xi32, #tpu.memory_space<hbm>> -> memref<1x10000xi32, #tpu.memory_space<hbm>>
      %dma_start3A_11 = tpu.memref_squeeze %dma_start3A_10 : memref<1x10000xi32, #tpu.memory_space<hbm>> -> memref<10000xi32, #tpu.memory_space<hbm>>
      %dma_start3A_12 = arith.constant 0 : i32
      %dma_start3A_13 = tpu.memref_slice %arg2[%add3A, %dma_start3A_12] : memref<32x10000xi32, #tpu.memory_space<hbm>> -> memref<1x10000xi32, #tpu.memory_space<hbm>>
      %dma_start3A_14 = tpu.memref_squeeze %dma_start3A_13 : memref<1x10000xi32, #tpu.memory_space<hbm>> -> memref<10000xi32, #tpu.memory_space<hbm>>
      tpu.enqueue_dma source(%dma_start3A_14 : memref<10000xi32, #tpu.memory_space<hbm>>) target(%arg4 : memref<10000xi32, #tpu.memory_space<vmem>>) target_semaphore(%run_scoped3A : memref<!tpu.dma_semaphore, #tpu.memory_space<semaphore_mem>>)
      %dma_wait3A = arith.constant 0 : i32
      %dma_wait3A_15 = tpu.memref_slice %arg2[%add3A, %dma_wait3A] : memref<32x10000xi32, #tpu.memory_space<hbm>> -> memref<1x10000xi32, #tpu.memory_space<hbm>>
      %dma_wait3A_16 = tpu.memref_squeeze %dma_wait3A_15 : memref<1x10000xi32, #tpu.memory_space<hbm>> -> memref<10000xi32, #tpu.memory_space<hbm>>
      %dma_wait3A_17 = arith.constant 0 : i32
      %dma_wait3A_18 = tpu.memref_slice %arg2[%add3A, %dma_wait3A_17] : memref<32x10000xi32, #tpu.memory_space<hbm>> -> memref<1x10000xi32, #tpu.memory_space<hbm>>
      %dma_wait3A_19 = tpu.memref_squeeze %dma_wait3A_18 : memref<1x10000xi32, #tpu.memory_space<hbm>> -> memref<10000xi32, #tpu.memory_space<hbm>>
      tpu.wait_dma2 semaphore(%run_scoped3A : memref<!tpu.dma_semaphore, #tpu.memory_space<semaphore_mem>>) src(%dma_wait3A_19 : memref<10000xi32, #tpu.memory_space<hbm>>) dst(%arg4 : memref<10000xi32, #tpu.memory_space<vmem>>)
      tpu.yield
    }) : () -> ()
    %scan3A_5 = arith.constant 0 : i32
    %scan3A_6 = arith.constant 625 : i32
    %scan3A_7 = arith.addi %scan3A_5, %scan3A_6 : i32
    %scan3A_8 = arith.constant 1 : i32
    scf.for %scan3A_10 = %scan3A_5 to %scan3A_7 step %scan3A_8  : i32 {
      %mul3A_11 = arith.constant 1 : i32
      %mul3A_12 = arith.muli %scan3A_10, %mul3A_11 : i32
      %add3A_13 = arith.constant 0 : i32
      %add3A_14 = arith.addi %add3A_13, %mul3A_12 : i32
      %mul3A_15 = arith.constant 16 : i32
      %mul3A_16 = arith.muli %add3A_14, %mul3A_15 : i32
      %get3A = arith.index_cast %mul3A_16 : i32 to index
      %get3A_17 = tpu.vector_load %arg4[%get3A] {strides = array<i32>} : memref<10000xi32, #tpu.memory_space<vmem>>, vector<16xi32>,
      %broadcast_in_dim3A = arith.constant true
      %broadcast_in_dim3A_18 = vector.broadcast %broadcast_in_dim3A : i1 to vector<16xi1>
      %unique3A, %unique3A_19 = tpu.scan_count mask(%broadcast_in_dim3A_18 : vector<16xi1>) value(%get3A_17 : vector<16xi32>) : vector<16xi1>, vector<16xi32>
      %convert_element_type3A = arith.sitofp %unique3A_19 : vector<16xi32> to vector<16xf32>
      tpu.vector_store_idx %arg5[%get3A_17], %convert_element_type3A masked %unique3A {add = true} : memref<10000xf32, #tpu.memory_space<vmem>>[vector<16xi32>], vector<16xf32>, vector<16xi1>
    }
    %scan3A_9 = arith.constant 625 : i32
    "tpu.region"() ({
      %run_scoped3A = tpu.sem_alloc : memref<!tpu.dma_semaphore, #tpu.memory_space<semaphore_mem>>
      %dma_start3A = arith.constant 0 : i32
      %dma_start3A_10 = tpu.memref_slice %arg3[%add3A, %dma_start3A] : memref<32x10000xf32, #tpu.memory_space<hbm>> -> memref<1x10000xf32, #tpu.memory_space<hbm>>
      %dma_start3A_11 = tpu.memref_squeeze %dma_start3A_10 : memref<1x10000xf32, #tpu.memory_space<hbm>> -> memref<10000xf32, #tpu.memory_space<hbm>>
      %dma_start3A_12 = arith.constant 0 : i32
      %dma_start3A_13 = tpu.memref_slice %arg3[%add3A, %dma_start3A_12] : memref<32x10000xf32, #tpu.memory_space<hbm>> -> memref<1x10000xf32, #tpu.memory_space<hbm>>
      %dma_start3A_14 = tpu.memref_squeeze %dma_start3A_13 : memref<1x10000xf32, #tpu.memory_space<hbm>> -> memref<10000xf32, #tpu.memory_space<hbm>>
      tpu.enqueue_dma source(%arg5 : memref<10000xf32, #tpu.memory_space<vmem>>) target(%dma_start3A_14 : memref<10000xf32, #tpu.memory_space<hbm>>) target_semaphore(%run_scoped3A : memref<!tpu.dma_semaphore, #tpu.memory_space<semaphore_mem>>)
      %dma_wait3A = arith.constant 0 : i32
      %dma_wait3A_15 = tpu.memref_slice %arg3[%add3A, %dma_wait3A] : memref<32x10000xf32, #tpu.memory_space<hbm>> -> memref<1x10000xf32, #tpu.memory_space<hbm>>
      %dma_wait3A_16 = tpu.memref_squeeze %dma_wait3A_15 : memref<1x10000xf32, #tpu.memory_space<hbm>> -> memref<10000xf32, #tpu.memory_space<hbm>>
      %dma_wait3A_17 = arith.constant 0 : i32
      %dma_wait3A_18 = tpu.memref_slice %arg3[%add3A, %dma_wait3A_17] : memref<32x10000xf32, #tpu.memory_space<hbm>> -> memref<1x10000xf32, #tpu.memory_space<hbm>>
      %dma_wait3A_19 = tpu.memref_squeeze %dma_wait3A_18 : memref<1x10000xf32, #tpu.memory_space<hbm>> -> memref<10000xf32, #tpu.memory_space<hbm>>
      tpu.wait_dma2 semaphore(%run_scoped3A : memref<!tpu.dma_semaphore, #tpu.memory_space<semaphore_mem>>) src(%arg5 : memref<10000xf32, #tpu.memory_space<vmem>>) dst(%dma_wait3A_19 : memref<10000xf32, #tpu.memory_space<hbm>>)
      tpu.yield
    }) : () -> ()
    return
  }
}

#map = affine_map<(d0, d1) -> (0, 0)>
#map1 = affine_map<(d0, d1) -> (0, 0, 0, 0)>
module attributes {stable_mosaic.version = 14 : i64} {
  func.func @_gather(%arg0: i32, %arg1: i32, %arg2: memref<10000x128xf32, #tpu.memory_space<hbm>>, %arg3: memref<10000x128xf32, #tpu.memory_space<hbm>>, %arg4: memref<2x32x250x40xi32, #tpu.memory_space<hbm>>, %arg5: memref<320000x128xf32, #tpu.memory_space<hbm>>, %arg6: memref<250x40xi32, #tpu.memory_space<vmem>>, %arg7: memref<250x40xi32, #tpu.memory_space<vmem>>, %arg8: memref<40x128xf32, #tpu.memory_space<vmem>>, %arg9: memref<40x128xf32, #tpu.memory_space<vmem>>, %arg10: memref<40x128xf32, #tpu.memory_space<vmem>>, %arg11: memref<40x128xf32, #tpu.memory_space<vmem>>, %arg12: memref<40x128xf32, #tpu.memory_space<vmem>>, %arg13: memref<40x128xf32, #tpu.memory_space<vmem>>, %arg14: memref<!tpu.dma_semaphore, #tpu.memory_space<semaphore_mem>>, %arg15: memref<!tpu.dma_semaphore, #tpu.memory_space<semaphore_mem>>, %arg16: memref<!tpu.dma_semaphore, #tpu.memory_space<semaphore_mem>>, %arg17: memref<!tpu.dma_semaphore, #tpu.memory_space<semaphore_mem>>, %arg18: memref<!tpu.dma_semaphore, #tpu.memory_space<semaphore_mem>>, %arg19: memref<!tpu.dma_semaphore, #tpu.memory_space<semaphore_mem>>) attributes {dimension_semantics = [#tpu.dimension_semantics<core_parallel>, #tpu.dimension_semantics<subcore_parallel>], iteration_bounds = array<i64: 2, 16>, scalar_prefetch = 0 : i64, scratch_operands = 14 : i64, tpu.core_type = #tpu.core_type<sc_vector_subcore>, window_params = [{transform_indices = #map}, {transform_indices = #map}, {transform_indices = #map1}, {transform_indices = #map}]} {
    %mul3A = arith.constant 2 : i32
    %mul3A_0 = arith.muli %arg1, %mul3A : i32
    %add3A = arith.addi %mul3A_0, %arg0 : i32
    %mul3A_1 = arith.constant 10000 : i32
    %mul3A_2 = arith.muli %add3A, %mul3A_1 : i32
    %run_scoped3A = arith.constant 0 : i32
    "tpu.region"() ({
      %run_scoped3A_28 = tpu.sem_alloc : memref<!tpu.dma_semaphore, #tpu.memory_space<semaphore_mem>>
      %dma_start3A_29 = arith.constant 0 : i32
      %dma_start3A_30 = arith.constant 0 : i32
      %dma_start3A_31 = tpu.memref_slice %arg4[%run_scoped3A, %add3A, %dma_start3A_29, %dma_start3A_30] : memref<2x32x250x40xi32, #tpu.memory_space<hbm>> -> memref<1x1x250x40xi32, #tpu.memory_space<hbm>>
      %dma_start3A_32 = tpu.memref_squeeze %dma_start3A_31 : memref<1x1x250x40xi32, #tpu.memory_space<hbm>> -> memref<250x40xi32, #tpu.memory_space<hbm>>
      %dma_start3A_33 = arith.constant 0 : i32
      %dma_start3A_34 = arith.constant 0 : i32
      %dma_start3A_35 = tpu.memref_slice %arg4[%run_scoped3A, %add3A, %dma_start3A_33, %dma_start3A_34] : memref<2x32x250x40xi32, #tpu.memory_space<hbm>> -> memref<1x1x250x40xi32, #tpu.memory_space<hbm>>
      %dma_start3A_36 = tpu.memref_squeeze %dma_start3A_35 : memref<1x1x250x40xi32, #tpu.memory_space<hbm>> -> memref<250x40xi32, #tpu.memory_space<hbm>>
      tpu.enqueue_dma source(%dma_start3A_36 : memref<250x40xi32, #tpu.memory_space<hbm>>) target(%arg6 : memref<250x40xi32, #tpu.memory_space<vmem>>) target_semaphore(%run_scoped3A_28 : memref<!tpu.dma_semaphore, #tpu.memory_space<semaphore_mem>>)
      %dma_wait3A_37 = arith.constant 0 : i32
      %dma_wait3A_38 = arith.constant 0 : i32
      %dma_wait3A_39 = tpu.memref_slice %arg4[%run_scoped3A, %add3A, %dma_wait3A_37, %dma_wait3A_38] : memref<2x32x250x40xi32, #tpu.memory_space<hbm>> -> memref<1x1x250x40xi32, #tpu.memory_space<hbm>>
      %dma_wait3A_40 = tpu.memref_squeeze %dma_wait3A_39 : memref<1x1x250x40xi32, #tpu.memory_space<hbm>> -> memref<250x40xi32, #tpu.memory_space<hbm>>
      %dma_wait3A_41 = arith.constant 0 : i32
      %dma_wait3A_42 = arith.constant 0 : i32
      %dma_wait3A_43 = tpu.memref_slice %arg4[%run_scoped3A, %add3A, %dma_wait3A_41, %dma_wait3A_42] : memref<2x32x250x40xi32, #tpu.memory_space<hbm>> -> memref<1x1x250x40xi32, #tpu.memory_space<hbm>>
      %dma_wait3A_44 = tpu.memref_squeeze %dma_wait3A_43 : memref<1x1x250x40xi32, #tpu.memory_space<hbm>> -> memref<250x40xi32, #tpu.memory_space<hbm>>
      tpu.wait_dma2 semaphore(%run_scoped3A_28 : memref<!tpu.dma_semaphore, #tpu.memory_space<semaphore_mem>>) src(%dma_wait3A_44 : memref<250x40xi32, #tpu.memory_space<hbm>>) dst(%arg6 : memref<250x40xi32, #tpu.memory_space<vmem>>)
      tpu.yield
    }) : () -> ()
    %run_scoped3A_3 = arith.constant 1 : i32
    "tpu.region"() ({
      %run_scoped3A_28 = tpu.sem_alloc : memref<!tpu.dma_semaphore, #tpu.memory_space<semaphore_mem>>
      %dma_start3A_29 = arith.constant 0 : i32
      %dma_start3A_30 = arith.constant 0 : i32
      %dma_start3A_31 = tpu.memref_slice %arg4[%run_scoped3A_3, %add3A, %dma_start3A_29, %dma_start3A_30] : memref<2x32x250x40xi32, #tpu.memory_space<hbm>> -> memref<1x1x250x40xi32, #tpu.memory_space<hbm>>
      %dma_start3A_32 = tpu.memref_squeeze %dma_start3A_31 : memref<1x1x250x40xi32, #tpu.memory_space<hbm>> -> memref<250x40xi32, #tpu.memory_space<hbm>>
      %dma_start3A_33 = arith.constant 0 : i32
      %dma_start3A_34 = arith.constant 0 : i32
      %dma_start3A_35 = tpu.memref_slice %arg4[%run_scoped3A_3, %add3A, %dma_start3A_33, %dma_start3A_34] : memref<2x32x250x40xi32, #tpu.memory_space<hbm>> -> memref<1x1x250x40xi32, #tpu.memory_space<hbm>>
      %dma_start3A_36 = tpu.memref_squeeze %dma_start3A_35 : memref<1x1x250x40xi32, #tpu.memory_space<hbm>> -> memref<250x40xi32, #tpu.memory_space<hbm>>
      tpu.enqueue_dma source(%dma_start3A_36 : memref<250x40xi32, #tpu.memory_space<hbm>>) target(%arg7 : memref<250x40xi32, #tpu.memory_space<vmem>>) target_semaphore(%run_scoped3A_28 : memref<!tpu.dma_semaphore, #tpu.memory_space<semaphore_mem>>)
      %dma_wait3A_37 = arith.constant 0 : i32
      %dma_wait3A_38 = arith.constant 0 : i32
      %dma_wait3A_39 = tpu.memref_slice %arg4[%run_scoped3A_3, %add3A, %dma_wait3A_37, %dma_wait3A_38] : memref<2x32x250x40xi32, #tpu.memory_space<hbm>> -> memref<1x1x250x40xi32, #tpu.memory_space<hbm>>
      %dma_wait3A_40 = tpu.memref_squeeze %dma_wait3A_39 : memref<1x1x250x40xi32, #tpu.memory_space<hbm>> -> memref<250x40xi32, #tpu.memory_space<hbm>>
      %dma_wait3A_41 = arith.constant 0 : i32
      %dma_wait3A_42 = arith.constant 0 : i32
      %dma_wait3A_43 = tpu.memref_slice %arg4[%run_scoped3A_3, %add3A, %dma_wait3A_41, %dma_wait3A_42] : memref<2x32x250x40xi32, #tpu.memory_space<hbm>> -> memref<1x1x250x40xi32, #tpu.memory_space<hbm>>
      %dma_wait3A_44 = tpu.memref_squeeze %dma_wait3A_43 : memref<1x1x250x40xi32, #tpu.memory_space<hbm>> -> memref<250x40xi32, #tpu.memory_space<hbm>>
      tpu.wait_dma2 semaphore(%run_scoped3A_28 : memref<!tpu.dma_semaphore, #tpu.memory_space<semaphore_mem>>) src(%dma_wait3A_44 : memref<250x40xi32, #tpu.memory_space<hbm>>) dst(%arg7 : memref<250x40xi32, #tpu.memory_space<vmem>>)
      tpu.yield
    }) : () -> ()
    %dma_start3A = arith.constant 0 : i32
    %dma_start3A_4 = arith.constant 0 : i32
    %dma_start3A_5 = tpu.memref_slice %arg6[%dma_start3A, %dma_start3A_4] : memref<250x40xi32, #tpu.memory_space<vmem>> -> memref<1x40xi32, #tpu.memory_space<vmem>>
    %dma_start3A_6 = tpu.memref_squeeze %dma_start3A_5 : memref<1x40xi32, #tpu.memory_space<vmem>> -> memref<40xi32, #tpu.memory_space<vmem>>
    %dma_start3A_7 = arith.constant 0 : i32
    %dma_start3A_8 = arith.constant 0 : i32
    %dma_start3A_9 = tpu.memref_slice %arg2[%dma_start3A_7, %dma_start3A_8] : memref<10000x128xf32, #tpu.memory_space<hbm>> -> memref<10000x128xf32, #tpu.memory_space<hbm>>
    tpu.enqueue_indirect_dma source(%dma_start3A_9 : memref<10000x128xf32, #tpu.memory_space<hbm>>) target(%arg8 : memref<40x128xf32, #tpu.memory_space<vmem>>) offsets(%dma_start3A_6 : memref<40xi32, #tpu.memory_space<vmem>>) semaphore(%arg14 : memref<!tpu.dma_semaphore, #tpu.memory_space<semaphore_mem>>)
    %dma_start3A_10 = arith.constant 0 : i32
    %dma_start3A_11 = arith.constant 0 : i32
    %dma_start3A_12 = tpu.memref_slice %arg7[%dma_start3A_10, %dma_start3A_11] : memref<250x40xi32, #tpu.memory_space<vmem>> -> memref<1x40xi32, #tpu.memory_space<vmem>>
    %dma_start3A_13 = tpu.memref_squeeze %dma_start3A_12 : memref<1x40xi32, #tpu.memory_space<vmem>> -> memref<40xi32, #tpu.memory_space<vmem>>
    %dma_start3A_14 = arith.constant 0 : i32
    %dma_start3A_15 = arith.constant 0 : i32
    %dma_start3A_16 = tpu.memref_slice %arg3[%dma_start3A_14, %dma_start3A_15] : memref<10000x128xf32, #tpu.memory_space<hbm>> -> memref<10000x128xf32, #tpu.memory_space<hbm>>
    tpu.enqueue_indirect_dma source(%dma_start3A_16 : memref<10000x128xf32, #tpu.memory_space<hbm>>) target(%arg10 : memref<40x128xf32, #tpu.memory_space<vmem>>) offsets(%dma_start3A_13 : memref<40xi32, #tpu.memory_space<vmem>>) semaphore(%arg16 : memref<!tpu.dma_semaphore, #tpu.memory_space<semaphore_mem>>)
    %scan3A = arith.constant 0 : i32
    %scan3A_17 = arith.constant 125 : i32
    %scan3A_18 = arith.addi %scan3A, %scan3A_17 : i32
    %scan3A_19 = arith.constant 1 : i32
    scf.for %scan3A_28 = %scan3A to %scan3A_18 step %scan3A_19  : i32 {
      %mul3A_29 = arith.constant 1 : i32
      %mul3A_30 = arith.muli %scan3A_28, %mul3A_29 : i32
      %add3A_31 = arith.constant 0 : i32
      %add3A_32 = arith.addi %add3A_31, %mul3A_30 : i32
      %mul3A_33 = arith.constant 2 : i32
      %mul3A_34 = arith.muli %add3A_32, %mul3A_33 : i32
      %add3A_35 = arith.constant 1 : i32
      %add3A_36 = arith.addi %mul3A_34, %add3A_35 : i32
      %dma_wait3A_37 = arith.constant 0 : i32
      %dma_wait3A_38 = tpu.memref_slice %arg6[%mul3A_34, %dma_wait3A_37] : memref<250x40xi32, #tpu.memory_space<vmem>> -> memref<1x40xi32, #tpu.memory_space<vmem>>
      %dma_wait3A_39 = tpu.memref_squeeze %dma_wait3A_38 : memref<1x40xi32, #tpu.memory_space<vmem>> -> memref<40xi32, #tpu.memory_space<vmem>>
      %dma_wait3A_40 = arith.constant 0 : i32
      %dma_wait3A_41 = arith.constant 0 : i32
      %dma_wait3A_42 = tpu.memref_slice %arg2[%dma_wait3A_40, %dma_wait3A_41] : memref<10000x128xf32, #tpu.memory_space<hbm>> -> memref<10000x128xf32, #tpu.memory_space<hbm>>
      tpu.wait_indirect_dma semaphore(%arg14 : memref<!tpu.dma_semaphore, #tpu.memory_space<semaphore_mem>>) src(%dma_wait3A_42 : memref<10000x128xf32, #tpu.memory_space<hbm>>) dst(%arg8 : memref<40x128xf32, #tpu.memory_space<vmem>>)
      %dma_wait3A_43 = arith.constant 0 : i32
      %dma_wait3A_44 = tpu.memref_slice %arg7[%mul3A_34, %dma_wait3A_43] : memref<250x40xi32, #tpu.memory_space<vmem>> -> memref<1x40xi32, #tpu.memory_space<vmem>>
      %dma_wait3A_45 = tpu.memref_squeeze %dma_wait3A_44 : memref<1x40xi32, #tpu.memory_space<vmem>> -> memref<40xi32, #tpu.memory_space<vmem>>
      %dma_wait3A_46 = arith.constant 0 : i32
      %dma_wait3A_47 = arith.constant 0 : i32
      %dma_wait3A_48 = tpu.memref_slice %arg3[%dma_wait3A_46, %dma_wait3A_47] : memref<10000x128xf32, #tpu.memory_space<hbm>> -> memref<10000x128xf32, #tpu.memory_space<hbm>>
      tpu.wait_indirect_dma semaphore(%arg16 : memref<!tpu.dma_semaphore, #tpu.memory_space<semaphore_mem>>) src(%dma_wait3A_48 : memref<10000x128xf32, #tpu.memory_space<hbm>>) dst(%arg10 : memref<40x128xf32, #tpu.memory_space<vmem>>)
      %dma_start3A_49 = arith.constant 0 : i32
      %dma_start3A_50 = tpu.memref_slice %arg6[%add3A_36, %dma_start3A_49] : memref<250x40xi32, #tpu.memory_space<vmem>> -> memref<1x40xi32, #tpu.memory_space<vmem>>
      %dma_start3A_51 = tpu.memref_squeeze %dma_start3A_50 : memref<1x40xi32, #tpu.memory_space<vmem>> -> memref<40xi32, #tpu.memory_space<vmem>>
      %dma_start3A_52 = arith.constant 0 : i32
      %dma_start3A_53 = arith.constant 0 : i32
      %dma_start3A_54 = tpu.memref_slice %arg2[%dma_start3A_52, %dma_start3A_53] : memref<10000x128xf32, #tpu.memory_space<hbm>> -> memref<10000x128xf32, #tpu.memory_space<hbm>>
      tpu.enqueue_indirect_dma source(%dma_start3A_54 : memref<10000x128xf32, #tpu.memory_space<hbm>>) target(%arg9 : memref<40x128xf32, #tpu.memory_space<vmem>>) offsets(%dma_start3A_51 : memref<40xi32, #tpu.memory_space<vmem>>) semaphore(%arg15 : memref<!tpu.dma_semaphore, #tpu.memory_space<semaphore_mem>>)
      %dma_start3A_55 = arith.constant 0 : i32
      %dma_start3A_56 = tpu.memref_slice %arg7[%add3A_36, %dma_start3A_55] : memref<250x40xi32, #tpu.memory_space<vmem>> -> memref<1x40xi32, #tpu.memory_space<vmem>>
      %dma_start3A_57 = tpu.memref_squeeze %dma_start3A_56 : memref<1x40xi32, #tpu.memory_space<vmem>> -> memref<40xi32, #tpu.memory_space<vmem>>
      %dma_start3A_58 = arith.constant 0 : i32
      %dma_start3A_59 = arith.constant 0 : i32
      %dma_start3A_60 = tpu.memref_slice %arg3[%dma_start3A_58, %dma_start3A_59] : memref<10000x128xf32, #tpu.memory_space<hbm>> -> memref<10000x128xf32, #tpu.memory_space<hbm>>
      tpu.enqueue_indirect_dma source(%dma_start3A_60 : memref<10000x128xf32, #tpu.memory_space<hbm>>) target(%arg11 : memref<40x128xf32, #tpu.memory_space<vmem>>) offsets(%dma_start3A_57 : memref<40xi32, #tpu.memory_space<vmem>>) semaphore(%arg17 : memref<!tpu.dma_semaphore, #tpu.memory_space<semaphore_mem>>)
      %gt3A = arith.constant 0 : i32
      %gt3A_61 = arith.cmpi sgt, %add3A_32, %gt3A : i32
      %convert_element_type3A = arith.extui %gt3A_61 : i1 to i32
      %cond3A = arith.constant 0 : i32
      %cond3A_62 = arith.cmpi ne, %convert_element_type3A, %cond3A : i32
      scf.if %cond3A_62 {
        %dma_wait3A_110 = arith.constant 0 : i32
        %dma_wait3A_111 = tpu.memref_slice %arg5[%mul3A_2, %dma_wait3A_110] : memref<320000x128xf32, #tpu.memory_space<hbm>> -> memref<40x128xf32, #tpu.memory_space<hbm>>
        %dma_wait3A_112 = arith.constant 0 : i32
        %dma_wait3A_113 = tpu.memref_slice %arg5[%mul3A_2, %dma_wait3A_112] : memref<320000x128xf32, #tpu.memory_space<hbm>> -> memref<40x128xf32, #tpu.memory_space<hbm>>
        tpu.wait_dma2 semaphore(%arg18 : memref<!tpu.dma_semaphore, #tpu.memory_space<semaphore_mem>>) src(%arg12 : memref<40x128xf32, #tpu.memory_space<vmem>>) dst(%dma_wait3A_113 : memref<40x128xf32, #tpu.memory_space<hbm>>)
      } else {
      }
      %scan3A_63 = arith.constant 0 : i32
      %scan3A_64 = arith.constant 40 : i32
      %scan3A_65 = arith.addi %scan3A_63, %scan3A_64 : i32
      %scan3A_66 = arith.constant 1 : i32
      scf.for %scan3A_110 = %scan3A_63 to %scan3A_65 step %scan3A_66  : i32 {
        %mul3A_111 = arith.constant 1 : i32
        %mul3A_112 = arith.muli %scan3A_110, %mul3A_111 : i32
        %add3A_113 = arith.constant 0 : i32
        %add3A_114 = arith.addi %add3A_113, %mul3A_112 : i32
        %get3A = arith.index_cast %add3A_114 : i32 to index
        %get3A_115 = arith.constant 0 : index
        %get3A_116 = tpu.vector_load %arg8[%get3A, %get3A_115] {strides = array<i32>} : memref<40x128xf32, #tpu.memory_space<vmem>>, vector<1x16xf32>,
        %get3A_117 = vector.shape_cast %get3A_116 : vector<1x16xf32> to vector<16xf32>
        %get3A_118 = arith.index_cast %add3A_114 : i32 to index
        %get3A_119 = arith.constant 0 : index
        %get3A_120 = tpu.vector_load %arg10[%get3A_118, %get3A_119] {strides = array<i32>} : memref<40x128xf32, #tpu.memory_space<vmem>>, vector<1x16xf32>,
        %get3A_121 = vector.shape_cast %get3A_120 : vector<1x16xf32> to vector<16xf32>
        %add3A_122 = arith.addf %get3A_117, %get3A_121 : vector<16xf32>
        %swap3A = arith.index_cast %add3A_114 : i32 to index
        %swap3A_123 = arith.constant 0 : index
        %swap3A_124 = tpu.vector_load %arg12[%swap3A, %swap3A_123] {strides = array<i32>} : memref<40x128xf32, #tpu.memory_space<vmem>>, vector<1x16xf32>,
        %swap3A_125 = vector.shape_cast %swap3A_124 : vector<1x16xf32> to vector<16xf32>
        %swap3A_126 = vector.shape_cast %add3A_122 : vector<16xf32> to vector<1x16xf32>
        tpu.vector_store %arg12[%swap3A, %swap3A_123], %swap3A_126 {strides = array<i32>} : memref<40x128xf32, #tpu.memory_space<vmem>>, vector<1x16xf32>,
        %get3A_127 = arith.index_cast %add3A_114 : i32 to index
        %get3A_128 = arith.constant 16 : index
        %get3A_129 = tpu.vector_load %arg8[%get3A_127, %get3A_128] {strides = array<i32>} : memref<40x128xf32, #tpu.memory_space<vmem>>, vector<1x16xf32>,
        %get3A_130 = vector.shape_cast %get3A_129 : vector<1x16xf32> to vector<16xf32>
        %get3A_131 = arith.index_cast %add3A_114 : i32 to index
        %get3A_132 = arith.constant 16 : index
        %get3A_133 = tpu.vector_load %arg10[%get3A_131, %get3A_132] {strides = array<i32>} : memref<40x128xf32, #tpu.memory_space<vmem>>, vector<1x16xf32>,
        %get3A_134 = vector.shape_cast %get3A_133 : vector<1x16xf32> to vector<16xf32>
        %add3A_135 = arith.addf %get3A_130, %get3A_134 : vector<16xf32>
        %swap3A_136 = arith.index_cast %add3A_114 : i32 to index
        %swap3A_137 = arith.constant 16 : index
        %swap3A_138 = tpu.vector_load %arg12[%swap3A_136, %swap3A_137] {strides = array<i32>} : memref<40x128xf32, #tpu.memory_space<vmem>>, vector<1x16xf32>,
        %swap3A_139 = vector.shape_cast %swap3A_138 : vector<1x16xf32> to vector<16xf32>
        %swap3A_140 = vector.shape_cast %add3A_135 : vector<16xf32> to vector<1x16xf32>
        tpu.vector_store %arg12[%swap3A_136, %swap3A_137], %swap3A_140 {strides = array<i32>} : memref<40x128xf32, #tpu.memory_space<vmem>>, vector<1x16xf32>,
        %get3A_141 = arith.index_cast %add3A_114 : i32 to index
        %get3A_142 = arith.constant 32 : index
        %get3A_143 = tpu.vector_load %arg8[%get3A_141, %get3A_142] {strides = array<i32>} : memref<40x128xf32, #tpu.memory_space<vmem>>, vector<1x16xf32>,
        %get3A_144 = vector.shape_cast %get3A_143 : vector<1x16xf32> to vector<16xf32>
        %get3A_145 = arith.index_cast %add3A_114 : i32 to index
        %get3A_146 = arith.constant 32 : index
        %get3A_147 = tpu.vector_load %arg10[%get3A_145, %get3A_146] {strides = array<i32>} : memref<40x128xf32, #tpu.memory_space<vmem>>, vector<1x16xf32>,
        %get3A_148 = vector.shape_cast %get3A_147 : vector<1x16xf32> to vector<16xf32>
        %add3A_149 = arith.addf %get3A_144, %get3A_148 : vector<16xf32>
        %swap3A_150 = arith.index_cast %add3A_114 : i32 to index
        %swap3A_151 = arith.constant 32 : index
        %swap3A_152 = tpu.vector_load %arg12[%swap3A_150, %swap3A_151] {strides = array<i32>} : memref<40x128xf32, #tpu.memory_space<vmem>>, vector<1x16xf32>,
        %swap3A_153 = vector.shape_cast %swap3A_152 : vector<1x16xf32> to vector<16xf32>
        %swap3A_154 = vector.shape_cast %add3A_149 : vector<16xf32> to vector<1x16xf32>
        tpu.vector_store %arg12[%swap3A_150, %swap3A_151], %swap3A_154 {strides = array<i32>} : memref<40x128xf32, #tpu.memory_space<vmem>>, vector<1x16xf32>,
        %get3A_155 = arith.index_cast %add3A_114 : i32 to index
        %get3A_156 = arith.constant 48 : index
        %get3A_157 = tpu.vector_load %arg8[%get3A_155, %get3A_156] {strides = array<i32>} : memref<40x128xf32, #tpu.memory_space<vmem>>, vector<1x16xf32>,
        %get3A_158 = vector.shape_cast %get3A_157 : vector<1x16xf32> to vector<16xf32>
        %get3A_159 = arith.index_cast %add3A_114 : i32 to index
        %get3A_160 = arith.constant 48 : index
        %get3A_161 = tpu.vector_load %arg10[%get3A_159, %get3A_160] {strides = array<i32>} : memref<40x128xf32, #tpu.memory_space<vmem>>, vector<1x16xf32>,
        %get3A_162 = vector.shape_cast %get3A_161 : vector<1x16xf32> to vector<16xf32>
        %add3A_163 = arith.addf %get3A_158, %get3A_162 : vector<16xf32>
        %swap3A_164 = arith.index_cast %add3A_114 : i32 to index
        %swap3A_165 = arith.constant 48 : index
        %swap3A_166 = tpu.vector_load %arg12[%swap3A_164, %swap3A_165] {strides = array<i32>} : memref<40x128xf32, #tpu.memory_space<vmem>>, vector<1x16xf32>,
        %swap3A_167 = vector.shape_cast %swap3A_166 : vector<1x16xf32> to vector<16xf32>
        %swap3A_168 = vector.shape_cast %add3A_163 : vector<16xf32> to vector<1x16xf32>
        tpu.vector_store %arg12[%swap3A_164, %swap3A_165], %swap3A_168 {strides = array<i32>} : memref<40x128xf32, #tpu.memory_space<vmem>>, vector<1x16xf32>,
        %get3A_169 = arith.index_cast %add3A_114 : i32 to index
        %get3A_170 = arith.constant 64 : index
        %get3A_171 = tpu.vector_load %arg8[%get3A_169, %get3A_170] {strides = array<i32>} : memref<40x128xf32, #tpu.memory_space<vmem>>, vector<1x16xf32>,
        %get3A_172 = vector.shape_cast %get3A_171 : vector<1x16xf32> to vector<16xf32>
        %get3A_173 = arith.index_cast %add3A_114 : i32 to index
        %get3A_174 = arith.constant 64 : index
        %get3A_175 = tpu.vector_load %arg10[%get3A_173, %get3A_174] {strides = array<i32>} : memref<40x128xf32, #tpu.memory_space<vmem>>, vector<1x16xf32>,
        %get3A_176 = vector.shape_cast %get3A_175 : vector<1x16xf32> to vector<16xf32>
        %add3A_177 = arith.addf %get3A_172, %get3A_176 : vector<16xf32>
        %swap3A_178 = arith.index_cast %add3A_114 : i32 to index
        %swap3A_179 = arith.constant 64 : index
        %swap3A_180 = tpu.vector_load %arg12[%swap3A_178, %swap3A_179] {strides = array<i32>} : memref<40x128xf32, #tpu.memory_space<vmem>>, vector<1x16xf32>,
        %swap3A_181 = vector.shape_cast %swap3A_180 : vector<1x16xf32> to vector<16xf32>
        %swap3A_182 = vector.shape_cast %add3A_177 : vector<16xf32> to vector<1x16xf32>
        tpu.vector_store %arg12[%swap3A_178, %swap3A_179], %swap3A_182 {strides = array<i32>} : memref<40x128xf32, #tpu.memory_space<vmem>>, vector<1x16xf32>,
        %get3A_183 = arith.index_cast %add3A_114 : i32 to index
        %get3A_184 = arith.constant 80 : index
        %get3A_185 = tpu.vector_load %arg8[%get3A_183, %get3A_184] {strides = array<i32>} : memref<40x128xf32, #tpu.memory_space<vmem>>, vector<1x16xf32>,
        %get3A_186 = vector.shape_cast %get3A_185 : vector<1x16xf32> to vector<16xf32>
        %get3A_187 = arith.index_cast %add3A_114 : i32 to index
        %get3A_188 = arith.constant 80 : index
        %get3A_189 = tpu.vector_load %arg10[%get3A_187, %get3A_188] {strides = array<i32>} : memref<40x128xf32, #tpu.memory_space<vmem>>, vector<1x16xf32>,
        %get3A_190 = vector.shape_cast %get3A_189 : vector<1x16xf32> to vector<16xf32>
        %add3A_191 = arith.addf %get3A_186, %get3A_190 : vector<16xf32>
        %swap3A_192 = arith.index_cast %add3A_114 : i32 to index
        %swap3A_193 = arith.constant 80 : index
        %swap3A_194 = tpu.vector_load %arg12[%swap3A_192, %swap3A_193] {strides = array<i32>} : memref<40x128xf32, #tpu.memory_space<vmem>>, vector<1x16xf32>,
        %swap3A_195 = vector.shape_cast %swap3A_194 : vector<1x16xf32> to vector<16xf32>
        %swap3A_196 = vector.shape_cast %add3A_191 : vector<16xf32> to vector<1x16xf32>
        tpu.vector_store %arg12[%swap3A_192, %swap3A_193], %swap3A_196 {strides = array<i32>} : memref<40x128xf32, #tpu.memory_space<vmem>>, vector<1x16xf32>,
        %get3A_197 = arith.index_cast %add3A_114 : i32 to index
        %get3A_198 = arith.constant 96 : index
        %get3A_199 = tpu.vector_load %arg8[%get3A_197, %get3A_198] {strides = array<i32>} : memref<40x128xf32, #tpu.memory_space<vmem>>, vector<1x16xf32>,
        %get3A_200 = vector.shape_cast %get3A_199 : vector<1x16xf32> to vector<16xf32>
        %get3A_201 = arith.index_cast %add3A_114 : i32 to index
        %get3A_202 = arith.constant 96 : index
        %get3A_203 = tpu.vector_load %arg10[%get3A_201, %get3A_202] {strides = array<i32>} : memref<40x128xf32, #tpu.memory_space<vmem>>, vector<1x16xf32>,
        %get3A_204 = vector.shape_cast %get3A_203 : vector<1x16xf32> to vector<16xf32>
        %add3A_205 = arith.addf %get3A_200, %get3A_204 : vector<16xf32>
        %swap3A_206 = arith.index_cast %add3A_114 : i32 to index
        %swap3A_207 = arith.constant 96 : index
        %swap3A_208 = tpu.vector_load %arg12[%swap3A_206, %swap3A_207] {strides = array<i32>} : memref<40x128xf32, #tpu.memory_space<vmem>>, vector<1x16xf32>,
        %swap3A_209 = vector.shape_cast %swap3A_208 : vector<1x16xf32> to vector<16xf32>
        %swap3A_210 = vector.shape_cast %add3A_205 : vector<16xf32> to vector<1x16xf32>
        tpu.vector_store %arg12[%swap3A_206, %swap3A_207], %swap3A_210 {strides = array<i32>} : memref<40x128xf32, #tpu.memory_space<vmem>>, vector<1x16xf32>,
        %get3A_211 = arith.index_cast %add3A_114 : i32 to index
        %get3A_212 = arith.constant 112 : index
        %get3A_213 = tpu.vector_load %arg8[%get3A_211, %get3A_212] {strides = array<i32>} : memref<40x128xf32, #tpu.memory_space<vmem>>, vector<1x16xf32>,
        %get3A_214 = vector.shape_cast %get3A_213 : vector<1x16xf32> to vector<16xf32>
        %get3A_215 = arith.index_cast %add3A_114 : i32 to index
        %get3A_216 = arith.constant 112 : index
        %get3A_217 = tpu.vector_load %arg10[%get3A_215, %get3A_216] {strides = array<i32>} : memref<40x128xf32, #tpu.memory_space<vmem>>, vector<1x16xf32>,
        %get3A_218 = vector.shape_cast %get3A_217 : vector<1x16xf32> to vector<16xf32>
        %add3A_219 = arith.addf %get3A_214, %get3A_218 : vector<16xf32>
        %swap3A_220 = arith.index_cast %add3A_114 : i32 to index
        %swap3A_221 = arith.constant 112 : index
        %swap3A_222 = tpu.vector_load %arg12[%swap3A_220, %swap3A_221] {strides = array<i32>} : memref<40x128xf32, #tpu.memory_space<vmem>>, vector<1x16xf32>,
        %swap3A_223 = vector.shape_cast %swap3A_222 : vector<1x16xf32> to vector<16xf32>
        %swap3A_224 = vector.shape_cast %add3A_219 : vector<16xf32> to vector<1x16xf32>
        tpu.vector_store %arg12[%swap3A_220, %swap3A_221], %swap3A_224 {strides = array<i32>} : memref<40x128xf32, #tpu.memory_space<vmem>>, vector<1x16xf32>,
      }
      %scan3A_67 = arith.constant 40 : i32
      %mul3A_68 = arith.constant 40 : i32
      %mul3A_69 = arith.muli %mul3A_34, %mul3A_68 : i32
      %add3A_70 = arith.addi %mul3A_2, %mul3A_69 : i32
      %dma_start3A_71 = arith.constant 0 : i32
      %dma_start3A_72 = tpu.memref_slice %arg5[%add3A_70, %dma_start3A_71] : memref<320000x128xf32, #tpu.memory_space<hbm>> -> memref<40x128xf32, #tpu.memory_space<hbm>>
      %dma_start3A_73 = arith.constant 0 : i32
      %dma_start3A_74 = tpu.memref_slice %arg5[%add3A_70, %dma_start3A_73] : memref<320000x128xf32, #tpu.memory_space<hbm>> -> memref<40x128xf32, #tpu.memory_space<hbm>>
      tpu.enqueue_dma source(%arg12 : memref<40x128xf32, #tpu.memory_space<vmem>>) target(%dma_start3A_74 : memref<40x128xf32, #tpu.memory_space<hbm>>) target_semaphore(%arg18 : memref<!tpu.dma_semaphore, #tpu.memory_space<semaphore_mem>>)
      %dma_wait3A_75 = arith.constant 0 : i32
      %dma_wait3A_76 = tpu.memref_slice %arg6[%add3A_36, %dma_wait3A_75] : memref<250x40xi32, #tpu.memory_space<vmem>> -> memref<1x40xi32, #tpu.memory_space<vmem>>
      %dma_wait3A_77 = tpu.memref_squeeze %dma_wait3A_76 : memref<1x40xi32, #tpu.memory_space<vmem>> -> memref<40xi32, #tpu.memory_space<vmem>>
      %dma_wait3A_78 = arith.constant 0 : i32
      %dma_wait3A_79 = arith.constant 0 : i32
      %dma_wait3A_80 = tpu.memref_slice %arg2[%dma_wait3A_78, %dma_wait3A_79] : memref<10000x128xf32, #tpu.memory_space<hbm>> -> memref<10000x128xf32, #tpu.memory_space<hbm>>
      tpu.wait_indirect_dma semaphore(%arg15 : memref<!tpu.dma_semaphore, #tpu.memory_space<semaphore_mem>>) src(%dma_wait3A_80 : memref<10000x128xf32, #tpu.memory_space<hbm>>) dst(%arg9 : memref<40x128xf32, #tpu.memory_space<vmem>>)
      %dma_wait3A_81 = arith.constant 0 : i32
      %dma_wait3A_82 = tpu.memref_slice %arg7[%add3A_36, %dma_wait3A_81] : memref<250x40xi32, #tpu.memory_space<vmem>> -> memref<1x40xi32, #tpu.memory_space<vmem>>
      %dma_wait3A_83 = tpu.memref_squeeze %dma_wait3A_82 : memref<1x40xi32, #tpu.memory_space<vmem>> -> memref<40xi32, #tpu.memory_space<vmem>>
      %dma_wait3A_84 = arith.constant 0 : i32
      %dma_wait3A_85 = arith.constant 0 : i32
      %dma_wait3A_86 = tpu.memref_slice %arg3[%dma_wait3A_84, %dma_wait3A_85] : memref<10000x128xf32, #tpu.memory_space<hbm>> -> memref<10000x128xf32, #tpu.memory_space<hbm>>
      tpu.wait_indirect_dma semaphore(%arg17 : memref<!tpu.dma_semaphore, #tpu.memory_space<semaphore_mem>>) src(%dma_wait3A_86 : memref<10000x128xf32, #tpu.memory_space<hbm>>) dst(%arg11 : memref<40x128xf32, #tpu.memory_space<vmem>>)
      %add3A_87 = arith.constant 1 : i32
      %add3A_88 = arith.addi %add3A_32, %add3A_87 : i32
      %lt3A = arith.constant 125 : i32
      %lt3A_89 = arith.cmpi slt, %add3A_88, %lt3A : i32
      %convert_element_type3A_90 = arith.extui %lt3A_89 : i1 to i32
      %cond3A_91 = arith.constant 0 : i32
      %cond3A_92 = arith.cmpi ne, %convert_element_type3A_90, %cond3A_91 : i32
      scf.if %cond3A_92 {
        %add3A_110 = arith.constant 2 : i32
        %add3A_111 = arith.addi %mul3A_34, %add3A_110 : i32
        %dma_start3A_112 = arith.constant 0 : i32
        %dma_start3A_113 = tpu.memref_slice %arg6[%add3A_111, %dma_start3A_112] : memref<250x40xi32, #tpu.memory_space<vmem>> -> memref<1x40xi32, #tpu.memory_space<vmem>>
        %dma_start3A_114 = tpu.memref_squeeze %dma_start3A_113 : memref<1x40xi32, #tpu.memory_space<vmem>> -> memref<40xi32, #tpu.memory_space<vmem>>
        %dma_start3A_115 = arith.constant 0 : i32
        %dma_start3A_116 = arith.constant 0 : i32
        %dma_start3A_117 = tpu.memref_slice %arg2[%dma_start3A_115, %dma_start3A_116] : memref<10000x128xf32, #tpu.memory_space<hbm>> -> memref<10000x128xf32, #tpu.memory_space<hbm>>
        tpu.enqueue_indirect_dma source(%dma_start3A_117 : memref<10000x128xf32, #tpu.memory_space<hbm>>) target(%arg8 : memref<40x128xf32, #tpu.memory_space<vmem>>) offsets(%dma_start3A_114 : memref<40xi32, #tpu.memory_space<vmem>>) semaphore(%arg14 : memref<!tpu.dma_semaphore, #tpu.memory_space<semaphore_mem>>)
        %dma_start3A_118 = arith.constant 0 : i32
        %dma_start3A_119 = tpu.memref_slice %arg7[%add3A_111, %dma_start3A_118] : memref<250x40xi32, #tpu.memory_space<vmem>> -> memref<1x40xi32, #tpu.memory_space<vmem>>
        %dma_start3A_120 = tpu.memref_squeeze %dma_start3A_119 : memref<1x40xi32, #tpu.memory_space<vmem>> -> memref<40xi32, #tpu.memory_space<vmem>>
        %dma_start3A_121 = arith.constant 0 : i32
        %dma_start3A_122 = arith.constant 0 : i32
        %dma_start3A_123 = tpu.memref_slice %arg3[%dma_start3A_121, %dma_start3A_122] : memref<10000x128xf32, #tpu.memory_space<hbm>> -> memref<10000x128xf32, #tpu.memory_space<hbm>>
        tpu.enqueue_indirect_dma source(%dma_start3A_123 : memref<10000x128xf32, #tpu.memory_space<hbm>>) target(%arg10 : memref<40x128xf32, #tpu.memory_space<vmem>>) offsets(%dma_start3A_120 : memref<40xi32, #tpu.memory_space<vmem>>) semaphore(%arg16 : memref<!tpu.dma_semaphore, #tpu.memory_space<semaphore_mem>>)
      } else {
      }
      %gt3A_93 = arith.constant 0 : i32
      %gt3A_94 = arith.cmpi sgt, %add3A_32, %gt3A_93 : i32
      %convert_element_type3A_95 = arith.extui %gt3A_94 : i1 to i32
      %cond3A_96 = arith.constant 0 : i32
      %cond3A_97 = arith.cmpi ne, %convert_element_type3A_95, %cond3A_96 : i32
      scf.if %cond3A_97 {
        %dma_wait3A_110 = arith.constant 0 : i32
        %dma_wait3A_111 = tpu.memref_slice %arg5[%mul3A_2, %dma_wait3A_110] : memref<320000x128xf32, #tpu.memory_space<hbm>> -> memref<40x128xf32, #tpu.memory_space<hbm>>
        %dma_wait3A_112 = arith.constant 0 : i32
        %dma_wait3A_113 = tpu.memref_slice %arg5[%mul3A_2, %dma_wait3A_112] : memref<320000x128xf32, #tpu.memory_space<hbm>> -> memref<40x128xf32, #tpu.memory_space<hbm>>
        tpu.wait_dma2 semaphore(%arg19 : memref<!tpu.dma_semaphore, #tpu.memory_space<semaphore_mem>>) src(%arg13 : memref<40x128xf32, #tpu.memory_space<vmem>>) dst(%dma_wait3A_113 : memref<40x128xf32, #tpu.memory_space<hbm>>)
      } else {
      }
      %scan3A_98 = arith.constant 0 : i32
      %scan3A_99 = arith.constant 40 : i32
      %scan3A_100 = arith.addi %scan3A_98, %scan3A_99 : i32
      %scan3A_101 = arith.constant 1 : i32
      scf.for %scan3A_110 = %scan3A_98 to %scan3A_100 step %scan3A_101  : i32 {
        %mul3A_111 = arith.constant 1 : i32
        %mul3A_112 = arith.muli %scan3A_110, %mul3A_111 : i32
        %add3A_113 = arith.constant 0 : i32
        %add3A_114 = arith.addi %add3A_113, %mul3A_112 : i32
        %get3A = arith.index_cast %add3A_114 : i32 to index
        %get3A_115 = arith.constant 0 : index
        %get3A_116 = tpu.vector_load %arg9[%get3A, %get3A_115] {strides = array<i32>} : memref<40x128xf32, #tpu.memory_space<vmem>>, vector<1x16xf32>,
        %get3A_117 = vector.shape_cast %get3A_116 : vector<1x16xf32> to vector<16xf32>
        %get3A_118 = arith.index_cast %add3A_114 : i32 to index
        %get3A_119 = arith.constant 0 : index
        %get3A_120 = tpu.vector_load %arg11[%get3A_118, %get3A_119] {strides = array<i32>} : memref<40x128xf32, #tpu.memory_space<vmem>>, vector<1x16xf32>,
        %get3A_121 = vector.shape_cast %get3A_120 : vector<1x16xf32> to vector<16xf32>
        %add3A_122 = arith.addf %get3A_117, %get3A_121 : vector<16xf32>
        %swap3A = arith.index_cast %add3A_114 : i32 to index
        %swap3A_123 = arith.constant 0 : index
        %swap3A_124 = tpu.vector_load %arg13[%swap3A, %swap3A_123] {strides = array<i32>} : memref<40x128xf32, #tpu.memory_space<vmem>>, vector<1x16xf32>,
        %swap3A_125 = vector.shape_cast %swap3A_124 : vector<1x16xf32> to vector<16xf32>
        %swap3A_126 = vector.shape_cast %add3A_122 : vector<16xf32> to vector<1x16xf32>
        tpu.vector_store %arg13[%swap3A, %swap3A_123], %swap3A_126 {strides = array<i32>} : memref<40x128xf32, #tpu.memory_space<vmem>>, vector<1x16xf32>,
        %get3A_127 = arith.index_cast %add3A_114 : i32 to index
        %get3A_128 = arith.constant 16 : index
        %get3A_129 = tpu.vector_load %arg9[%get3A_127, %get3A_128] {strides = array<i32>} : memref<40x128xf32, #tpu.memory_space<vmem>>, vector<1x16xf32>,
        %get3A_130 = vector.shape_cast %get3A_129 : vector<1x16xf32> to vector<16xf32>
        %get3A_131 = arith.index_cast %add3A_114 : i32 to index
        %get3A_132 = arith.constant 16 : index
        %get3A_133 = tpu.vector_load %arg11[%get3A_131, %get3A_132] {strides = array<i32>} : memref<40x128xf32, #tpu.memory_space<vmem>>, vector<1x16xf32>,
        %get3A_134 = vector.shape_cast %get3A_133 : vector<1x16xf32> to vector<16xf32>
        %add3A_135 = arith.addf %get3A_130, %get3A_134 : vector<16xf32>
        %swap3A_136 = arith.index_cast %add3A_114 : i32 to index
        %swap3A_137 = arith.constant 16 : index
        %swap3A_138 = tpu.vector_load %arg13[%swap3A_136, %swap3A_137] {strides = array<i32>} : memref<40x128xf32, #tpu.memory_space<vmem>>, vector<1x16xf32>,
        %swap3A_139 = vector.shape_cast %swap3A_138 : vector<1x16xf32> to vector<16xf32>
        %swap3A_140 = vector.shape_cast %add3A_135 : vector<16xf32> to vector<1x16xf32>
        tpu.vector_store %arg13[%swap3A_136, %swap3A_137], %swap3A_140 {strides = array<i32>} : memref<40x128xf32, #tpu.memory_space<vmem>>, vector<1x16xf32>,
        %get3A_141 = arith.index_cast %add3A_114 : i32 to index
        %get3A_142 = arith.constant 32 : index
        %get3A_143 = tpu.vector_load %arg9[%get3A_141, %get3A_142] {strides = array<i32>} : memref<40x128xf32, #tpu.memory_space<vmem>>, vector<1x16xf32>,
        %get3A_144 = vector.shape_cast %get3A_143 : vector<1x16xf32> to vector<16xf32>
        %get3A_145 = arith.index_cast %add3A_114 : i32 to index
        %get3A_146 = arith.constant 32 : index
        %get3A_147 = tpu.vector_load %arg11[%get3A_145, %get3A_146] {strides = array<i32>} : memref<40x128xf32, #tpu.memory_space<vmem>>, vector<1x16xf32>,
        %get3A_148 = vector.shape_cast %get3A_147 : vector<1x16xf32> to vector<16xf32>
        %add3A_149 = arith.addf %get3A_144, %get3A_148 : vector<16xf32>
        %swap3A_150 = arith.index_cast %add3A_114 : i32 to index
        %swap3A_151 = arith.constant 32 : index
        %swap3A_152 = tpu.vector_load %arg13[%swap3A_150, %swap3A_151] {strides = array<i32>} : memref<40x128xf32, #tpu.memory_space<vmem>>, vector<1x16xf32>,
        %swap3A_153 = vector.shape_cast %swap3A_152 : vector<1x16xf32> to vector<16xf32>
        %swap3A_154 = vector.shape_cast %add3A_149 : vector<16xf32> to vector<1x16xf32>
        tpu.vector_store %arg13[%swap3A_150, %swap3A_151], %swap3A_154 {strides = array<i32>} : memref<40x128xf32, #tpu.memory_space<vmem>>, vector<1x16xf32>,
        %get3A_155 = arith.index_cast %add3A_114 : i32 to index
        %get3A_156 = arith.constant 48 : index
        %get3A_157 = tpu.vector_load %arg9[%get3A_155, %get3A_156] {strides = array<i32>} : memref<40x128xf32, #tpu.memory_space<vmem>>, vector<1x16xf32>,
        %get3A_158 = vector.shape_cast %get3A_157 : vector<1x16xf32> to vector<16xf32>
        %get3A_159 = arith.index_cast %add3A_114 : i32 to index
        %get3A_160 = arith.constant 48 : index
        %get3A_161 = tpu.vector_load %arg11[%get3A_159, %get3A_160] {strides = array<i32>} : memref<40x128xf32, #tpu.memory_space<vmem>>, vector<1x16xf32>,
        %get3A_162 = vector.shape_cast %get3A_161 : vector<1x16xf32> to vector<16xf32>
        %add3A_163 = arith.addf %get3A_158, %get3A_162 : vector<16xf32>
        %swap3A_164 = arith.index_cast %add3A_114 : i32 to index
        %swap3A_165 = arith.constant 48 : index
        %swap3A_166 = tpu.vector_load %arg13[%swap3A_164, %swap3A_165] {strides = array<i32>} : memref<40x128xf32, #tpu.memory_space<vmem>>, vector<1x16xf32>,
        %swap3A_167 = vector.shape_cast %swap3A_166 : vector<1x16xf32> to vector<16xf32>
        %swap3A_168 = vector.shape_cast %add3A_163 : vector<16xf32> to vector<1x16xf32>
        tpu.vector_store %arg13[%swap3A_164, %swap3A_165], %swap3A_168 {strides = array<i32>} : memref<40x128xf32, #tpu.memory_space<vmem>>, vector<1x16xf32>,
        %get3A_169 = arith.index_cast %add3A_114 : i32 to index
        %get3A_170 = arith.constant 64 : index
        %get3A_171 = tpu.vector_load %arg9[%get3A_169, %get3A_170] {strides = array<i32>} : memref<40x128xf32, #tpu.memory_space<vmem>>, vector<1x16xf32>,
        %get3A_172 = vector.shape_cast %get3A_171 : vector<1x16xf32> to vector<16xf32>
        %get3A_173 = arith.index_cast %add3A_114 : i32 to index
        %get3A_174 = arith.constant 64 : index
        %get3A_175 = tpu.vector_load %arg11[%get3A_173, %get3A_174] {strides = array<i32>} : memref<40x128xf32, #tpu.memory_space<vmem>>, vector<1x16xf32>,
        %get3A_176 = vector.shape_cast %get3A_175 : vector<1x16xf32> to vector<16xf32>
        %add3A_177 = arith.addf %get3A_172, %get3A_176 : vector<16xf32>
        %swap3A_178 = arith.index_cast %add3A_114 : i32 to index
        %swap3A_179 = arith.constant 64 : index
        %swap3A_180 = tpu.vector_load %arg13[%swap3A_178, %swap3A_179] {strides = array<i32>} : memref<40x128xf32, #tpu.memory_space<vmem>>, vector<1x16xf32>,
        %swap3A_181 = vector.shape_cast %swap3A_180 : vector<1x16xf32> to vector<16xf32>
        %swap3A_182 = vector.shape_cast %add3A_177 : vector<16xf32> to vector<1x16xf32>
        tpu.vector_store %arg13[%swap3A_178, %swap3A_179], %swap3A_182 {strides = array<i32>} : memref<40x128xf32, #tpu.memory_space<vmem>>, vector<1x16xf32>,
        %get3A_183 = arith.index_cast %add3A_114 : i32 to index
        %get3A_184 = arith.constant 80 : index
        %get3A_185 = tpu.vector_load %arg9[%get3A_183, %get3A_184] {strides = array<i32>} : memref<40x128xf32, #tpu.memory_space<vmem>>, vector<1x16xf32>,
        %get3A_186 = vector.shape_cast %get3A_185 : vector<1x16xf32> to vector<16xf32>
        %get3A_187 = arith.index_cast %add3A_114 : i32 to index
        %get3A_188 = arith.constant 80 : index
        %get3A_189 = tpu.vector_load %arg11[%get3A_187, %get3A_188] {strides = array<i32>} : memref<40x128xf32, #tpu.memory_space<vmem>>, vector<1x16xf32>,
        %get3A_190 = vector.shape_cast %get3A_189 : vector<1x16xf32> to vector<16xf32>
        %add3A_191 = arith.addf %get3A_186, %get3A_190 : vector<16xf32>
        %swap3A_192 = arith.index_cast %add3A_114 : i32 to index
        %swap3A_193 = arith.constant 80 : index
        %swap3A_194 = tpu.vector_load %arg13[%swap3A_192, %swap3A_193] {strides = array<i32>} : memref<40x128xf32, #tpu.memory_space<vmem>>, vector<1x16xf32>,
        %swap3A_195 = vector.shape_cast %swap3A_194 : vector<1x16xf32> to vector<16xf32>
        %swap3A_196 = vector.shape_cast %add3A_191 : vector<16xf32> to vector<1x16xf32>
        tpu.vector_store %arg13[%swap3A_192, %swap3A_193], %swap3A_196 {strides = array<i32>} : memref<40x128xf32, #tpu.memory_space<vmem>>, vector<1x16xf32>,
        %get3A_197 = arith.index_cast %add3A_114 : i32 to index
        %get3A_198 = arith.constant 96 : index
        %get3A_199 = tpu.vector_load %arg9[%get3A_197, %get3A_198] {strides = array<i32>} : memref<40x128xf32, #tpu.memory_space<vmem>>, vector<1x16xf32>,
        %get3A_200 = vector.shape_cast %get3A_199 : vector<1x16xf32> to vector<16xf32>
        %get3A_201 = arith.index_cast %add3A_114 : i32 to index
        %get3A_202 = arith.constant 96 : index
        %get3A_203 = tpu.vector_load %arg11[%get3A_201, %get3A_202] {strides = array<i32>} : memref<40x128xf32, #tpu.memory_space<vmem>>, vector<1x16xf32>,
        %get3A_204 = vector.shape_cast %get3A_203 : vector<1x16xf32> to vector<16xf32>
        %add3A_205 = arith.addf %get3A_200, %get3A_204 : vector<16xf32>
        %swap3A_206 = arith.index_cast %add3A_114 : i32 to index
        %swap3A_207 = arith.constant 96 : index
        %swap3A_208 = tpu.vector_load %arg13[%swap3A_206, %swap3A_207] {strides = array<i32>} : memref<40x128xf32, #tpu.memory_space<vmem>>, vector<1x16xf32>,
        %swap3A_209 = vector.shape_cast %swap3A_208 : vector<1x16xf32> to vector<16xf32>
        %swap3A_210 = vector.shape_cast %add3A_205 : vector<16xf32> to vector<1x16xf32>
        tpu.vector_store %arg13[%swap3A_206, %swap3A_207], %swap3A_210 {strides = array<i32>} : memref<40x128xf32, #tpu.memory_space<vmem>>, vector<1x16xf32>,
        %get3A_211 = arith.index_cast %add3A_114 : i32 to index
        %get3A_212 = arith.constant 112 : index
        %get3A_213 = tpu.vector_load %arg9[%get3A_211, %get3A_212] {strides = array<i32>} : memref<40x128xf32, #tpu.memory_space<vmem>>, vector<1x16xf32>,
        %get3A_214 = vector.shape_cast %get3A_213 : vector<1x16xf32> to vector<16xf32>
        %get3A_215 = arith.index_cast %add3A_114 : i32 to index
        %get3A_216 = arith.constant 112 : index
        %get3A_217 = tpu.vector_load %arg11[%get3A_215, %get3A_216] {strides = array<i32>} : memref<40x128xf32, #tpu.memory_space<vmem>>, vector<1x16xf32>,
        %get3A_218 = vector.shape_cast %get3A_217 : vector<1x16xf32> to vector<16xf32>
        %add3A_219 = arith.addf %get3A_214, %get3A_218 : vector<16xf32>
        %swap3A_220 = arith.index_cast %add3A_114 : i32 to index
        %swap3A_221 = arith.constant 112 : index
        %swap3A_222 = tpu.vector_load %arg13[%swap3A_220, %swap3A_221] {strides = array<i32>} : memref<40x128xf32, #tpu.memory_space<vmem>>, vector<1x16xf32>,
        %swap3A_223 = vector.shape_cast %swap3A_222 : vector<1x16xf32> to vector<16xf32>
        %swap3A_224 = vector.shape_cast %add3A_219 : vector<16xf32> to vector<1x16xf32>
        tpu.vector_store %arg13[%swap3A_220, %swap3A_221], %swap3A_224 {strides = array<i32>} : memref<40x128xf32, #tpu.memory_space<vmem>>, vector<1x16xf32>,
      }
      %scan3A_102 = arith.constant 40 : i32
      %mul3A_103 = arith.constant 40 : i32
      %mul3A_104 = arith.muli %add3A_36, %mul3A_103 : i32
      %add3A_105 = arith.addi %mul3A_2, %mul3A_104 : i32
      %dma_start3A_106 = arith.constant 0 : i32
      %dma_start3A_107 = tpu.memref_slice %arg5[%add3A_105, %dma_start3A_106] : memref<320000x128xf32, #tpu.memory_space<hbm>> -> memref<40x128xf32, #tpu.memory_space<hbm>>
      %dma_start3A_108 = arith.constant 0 : i32
      %dma_start3A_109 = tpu.memref_slice %arg5[%add3A_105, %dma_start3A_108] : memref<320000x128xf32, #tpu.memory_space<hbm>> -> memref<40x128xf32, #tpu.memory_space<hbm>>
      tpu.enqueue_dma source(%arg13 : memref<40x128xf32, #tpu.memory_space<vmem>>) target(%dma_start3A_109 : memref<40x128xf32, #tpu.memory_space<hbm>>) target_semaphore(%arg19 : memref<!tpu.dma_semaphore, #tpu.memory_space<semaphore_mem>>)
    }
    %scan3A_20 = arith.constant 125 : i32
    %dma_wait3A = arith.constant 0 : i32
    %dma_wait3A_21 = tpu.memref_slice %arg5[%mul3A_2, %dma_wait3A] : memref<320000x128xf32, #tpu.memory_space<hbm>> -> memref<40x128xf32, #tpu.memory_space<hbm>>
    %dma_wait3A_22 = arith.constant 0 : i32
    %dma_wait3A_23 = tpu.memref_slice %arg5[%mul3A_2, %dma_wait3A_22] : memref<320000x128xf32, #tpu.memory_space<hbm>> -> memref<40x128xf32, #tpu.memory_space<hbm>>
    tpu.wait_dma2 semaphore(%arg18 : memref<!tpu.dma_semaphore, #tpu.memory_space<semaphore_mem>>) src(%arg12 : memref<40x128xf32, #tpu.memory_space<vmem>>) dst(%dma_wait3A_23 : memref<40x128xf32, #tpu.memory_space<hbm>>)
    %dma_wait3A_24 = arith.constant 0 : i32
    %dma_wait3A_25 = tpu.memref_slice %arg5[%mul3A_2, %dma_wait3A_24] : memref<320000x128xf32, #tpu.memory_space<hbm>> -> memref<40x128xf32, #tpu.memory_space<hbm>>
    %dma_wait3A_26 = arith.constant 0 : i32
    %dma_wait3A_27 = tpu.memref_slice %arg5[%mul3A_2, %dma_wait3A_26] : memref<320000x128xf32, #tpu.memory_space<hbm>> -> memref<40x128xf32, #tpu.memory_space<hbm>>
    tpu.wait_dma2 semaphore(%arg19 : memref<!tpu.dma_semaphore, #tpu.memory_space<semaphore_mem>>) src(%arg13 : memref<40x128xf32, #tpu.memory_space<vmem>>) dst(%dma_wait3A_27 : memref<40x128xf32, #tpu.memory_space<hbm>>)
    return
  }
}

module attributes {stable_mosaic.version = 14 : i64} {
  func.func @_tables_body(%arg0: memref<10000x128xf32, #tpu.memory_space<vmem>>, %arg1: memref<128x128xf32, #tpu.memory_space<vmem>>, %arg2: memref<128x128xf32, #tpu.memory_space<vmem>>, %arg3: memref<1x128xf32, #tpu.memory_space<vmem>>, %arg4: memref<10000x128xf32, #tpu.memory_space<vmem>>, %arg5: memref<10000x128xf32, #tpu.memory_space<vmem>>) attributes {dimension_semantics = [], scalar_prefetch = 0 : i64, scratch_operands = 0 : i64, tpu.core_type = #tpu.core_type<tc>} {
    %get3A = arith.constant 0 : index
    %get3A_0 = arith.constant 0 : index
    %get3A_1 = vector.load %arg0[%get3A, %get3A_0] : memref<10000x128xf32, #tpu.memory_space<vmem>>, vector<10000x128xf32>
    %get3A_2 = arith.constant 0 : index
    %get3A_3 = arith.constant 0 : index
    %get3A_4 = vector.load %arg1[%get3A_2, %get3A_3] : memref<128x128xf32, #tpu.memory_space<vmem>>, vector<128x128xf32>
    %dot_general3A = arith.constant dense<0.000000e+00> : vector<10000x128xf32>
    %dot_general3A_5 = tpu.matmul %get3A_1, %get3A_4, %dot_general3A {dimension_numbers = #tpu.dot_dimension_numbers<[1], [0], [0], [1], [0, 0, 1, 1], [], []>, transpose_lhs_hint = false} : vector<10000x128xf32>, vector<128x128xf32>, vector<10000x128xf32> -> vector<10000x128xf32>
    %get3A_6 = arith.constant 0 : index
    %get3A_7 = arith.constant 0 : index
    %get3A_8 = vector.load %arg3[%get3A_6, %get3A_7] : memref<1x128xf32, #tpu.memory_space<vmem>>, vector<1x128xf32>
    %add3A = vector.broadcast %get3A_8 : vector<1x128xf32> to vector<10000x128xf32>
    %add3A_9 = arith.addf %dot_general3A_5, %add3A : vector<10000x128xf32>
    %swap3A = arith.constant 0 : index
    %swap3A_10 = arith.constant 0 : index
    %swap3A_11 = vector.load %arg4[%swap3A, %swap3A_10] : memref<10000x128xf32, #tpu.memory_space<vmem>>, vector<10000x128xf32>
    tpu.vector_store %arg4[%swap3A, %swap3A_10], %add3A_9 {strides = array<i32>} : memref<10000x128xf32, #tpu.memory_space<vmem>>, vector<10000x128xf32>,
    %get3A_12 = arith.constant 0 : index
    %get3A_13 = arith.constant 0 : index
    %get3A_14 = vector.load %arg2[%get3A_12, %get3A_13] : memref<128x128xf32, #tpu.memory_space<vmem>>, vector<128x128xf32>
    %dot_general3A_15 = arith.constant dense<0.000000e+00> : vector<10000x128xf32>
    %dot_general3A_16 = tpu.matmul %get3A_1, %get3A_14, %dot_general3A_15 {dimension_numbers = #tpu.dot_dimension_numbers<[1], [0], [0], [1], [0, 0, 1, 1], [], []>, transpose_lhs_hint = false} : vector<10000x128xf32>, vector<128x128xf32>, vector<10000x128xf32> -> vector<10000x128xf32>
    %swap3A_17 = arith.constant 0 : index
    %swap3A_18 = arith.constant 0 : index
    %swap3A_19 = vector.load %arg5[%swap3A_17, %swap3A_18] : memref<10000x128xf32, #tpu.memory_space<vmem>>, vector<10000x128xf32>
    tpu.vector_store %arg5[%swap3A_17, %swap3A_18], %dot_general3A_16 {strides = array<i32>} : memref<10000x128xf32, #tpu.memory_space<vmem>>, vector<10000x128xf32>,
    return
  }
}

module attributes {stable_mosaic.version = 14 : i64} {
  func.func @_edge_body(%arg0: i32, %arg1: memref<8000x128xf32, #tpu.memory_space<vmem>>, %arg2: memref<8000x128xf32, #tpu.memory_space<vmem>>, %arg3: memref<128x128xf32, #tpu.memory_space<vmem>>, %arg4: memref<8000x128xf32, #tpu.memory_space<vmem>>, %arg5: memref<8000x128xf32, #tpu.memory_space<vmem>>) attributes {dimension_semantics = [#tpu.dimension_semantics<arbitrary>], iteration_bounds = array<i64: 40>, scalar_prefetch = 0 : i64, scratch_operands = 0 : i64, tpu.core_type = #tpu.core_type<tc>, window_params = [{transform_indices = @transform_0, window_bounds = array<i64: 8000, 128>}, {transform_indices = @transform_1, window_bounds = array<i64: 8000, 128>}, {pipeline_mode = #tpu.pipeline_mode<synchronous>, transform_indices = @transform_2, window_bounds = array<i64: 128, 128>}, {transform_indices = @transform_3, window_bounds = array<i64: 8000, 128>}, {transform_indices = @transform_4, window_bounds = array<i64: 8000, 128>}]} {
    %get3A = arith.constant 0 : index
    %get3A_0 = arith.constant 0 : index
    %get3A_1 = vector.load %arg2[%get3A, %get3A_0] : memref<8000x128xf32, #tpu.memory_space<vmem>>, vector<8000x128xf32>
    %get3A_2 = arith.constant 0 : index
    %get3A_3 = arith.constant 0 : index
    %get3A_4 = vector.load %arg1[%get3A_2, %get3A_3] : memref<8000x128xf32, #tpu.memory_space<vmem>>, vector<8000x128xf32>
    %get3A_5 = arith.constant 0 : index
    %get3A_6 = arith.constant 0 : index
    %get3A_7 = vector.load %arg3[%get3A_5, %get3A_6] : memref<128x128xf32, #tpu.memory_space<vmem>>, vector<128x128xf32>
    %dot_general3A = arith.constant dense<0.000000e+00> : vector<8000x128xf32>
    %dot_general3A_8 = tpu.matmul %get3A_1, %get3A_7, %dot_general3A {dimension_numbers = #tpu.dot_dimension_numbers<[1], [0], [0], [1], [0, 0, 1, 1], [], []>, transpose_lhs_hint = false} : vector<8000x128xf32>, vector<128x128xf32>, vector<8000x128xf32> -> vector<8000x128xf32>
    %add3A = arith.addf %get3A_4, %dot_general3A_8 : vector<8000x128xf32>
    %max3A = arith.constant 0.000000e+00 : f32
    %max3A_9 = vector.broadcast %max3A : f32 to vector<8000x128xf32>
    %max3A_10 = arith.maximumf %add3A, %max3A_9 : vector<8000x128xf32>
    %swap3A = arith.constant 0 : index
    %swap3A_11 = arith.constant 0 : index
    %swap3A_12 = vector.load %arg4[%swap3A, %swap3A_11] : memref<8000x128xf32, #tpu.memory_space<vmem>>, vector<8000x128xf32>
    tpu.vector_store %arg4[%swap3A, %swap3A_11], %max3A_10 {strides = array<i32>} : memref<8000x128xf32, #tpu.memory_space<vmem>>, vector<8000x128xf32>,
    %add3A_13 = arith.addf %max3A_10, %get3A_1 : vector<8000x128xf32>
    %swap3A_14 = arith.constant 0 : index
    %swap3A_15 = arith.constant 0 : index
    %swap3A_16 = vector.load %arg5[%swap3A_14, %swap3A_15] : memref<8000x128xf32, #tpu.memory_space<vmem>>, vector<8000x128xf32>
    tpu.vector_store %arg5[%swap3A_14, %swap3A_15], %add3A_13 {strides = array<i32>} : memref<8000x128xf32, #tpu.memory_space<vmem>>, vector<8000x128xf32>,
    return
  }
  func.func @transform_0(%arg0: i32) -> (i32, i32) {
    %c0_i32 = arith.constant 0 : i32
    %c0_i32_0 = arith.constant 0 : i32
    return %arg0, %c0_i32 : i32, i32
  }
  func.func @transform_1(%arg0: i32) -> (i32, i32) {
    %c0_i32 = arith.constant 0 : i32
    %c0_i32_0 = arith.constant 0 : i32
    return %arg0, %c0_i32 : i32, i32
  }
  func.func @transform_2(%arg0: i32) -> (i32, i32) {
    %c0_i32 = arith.constant 0 : i32
    %c0_i32_0 = arith.constant 0 : i32
    %c0_i32_1 = arith.constant 0 : i32
    return %c0_i32, %c0_i32_0 : i32, i32
  }
  func.func @transform_3(%arg0: i32) -> (i32, i32) {
    %c0_i32 = arith.constant 0 : i32
    %c0_i32_0 = arith.constant 0 : i32
    return %arg0, %c0_i32 : i32, i32
  }
  func.func @transform_4(%arg0: i32) -> (i32, i32) {
    %c0_i32 = arith.constant 0 : i32
    %c0_i32_0 = arith.constant 0 : i32
    return %arg0, %c0_i32 : i32, i32
  }
}

module attributes {stable_mosaic.version = 14 : i64} {
  func.func @_node_body(%arg0: memref<10000x128xf32, #tpu.memory_space<vmem>>, %arg1: memref<2x10000x128xf32, #tpu.memory_space<vmem>>, %arg2: memref<32x10000xf32, #tpu.memory_space<vmem>>, %arg3: memref<128x128xf32, #tpu.memory_space<vmem>>, %arg4: memref<128x128xf32, #tpu.memory_space<vmem>>, %arg5: memref<1x128xf32, #tpu.memory_space<vmem>>, %arg6: memref<10000x128xf32, #tpu.memory_space<vmem>>) attributes {dimension_semantics = [], scalar_prefetch = 0 : i64, scratch_operands = 0 : i64, tpu.core_type = #tpu.core_type<tc>} {
    %get3A = arith.constant 0 : index
    %get3A_0 = arith.constant 0 : index
    %get3A_1 = vector.load %arg0[%get3A, %get3A_0] : memref<10000x128xf32, #tpu.memory_space<vmem>>, vector<10000x128xf32>
    %get3A_2 = arith.constant 0 : index
    %get3A_3 = arith.constant 0 : index
    %get3A_4 = arith.constant 0 : index
    %get3A_5 = vector.load %arg1[%get3A_2, %get3A_3, %get3A_4] : memref<2x10000x128xf32, #tpu.memory_space<vmem>>, vector<1x10000x128xf32>
    %get3A_6 = vector.shape_cast %get3A_5 : vector<1x10000x128xf32> to vector<10000x128xf32>
    %get3A_7 = arith.constant 1 : index
    %get3A_8 = arith.constant 0 : index
    %get3A_9 = arith.constant 0 : index
    %get3A_10 = vector.load %arg1[%get3A_7, %get3A_8, %get3A_9] : memref<2x10000x128xf32, #tpu.memory_space<vmem>>, vector<1x10000x128xf32>
    %get3A_11 = vector.shape_cast %get3A_10 : vector<1x10000x128xf32> to vector<10000x128xf32>
    %add3A = arith.addf %get3A_6, %get3A_11 : vector<10000x128xf32>
    %get3A_12 = arith.constant 0 : index
    %get3A_13 = arith.constant 0 : index
    %get3A_14 = vector.load %arg2[%get3A_12, %get3A_13] : memref<32x10000xf32, #tpu.memory_space<vmem>>, vector<32x10000xf32>
    %reduce_sum3A = arith.constant dense<0.000000e+00> : vector<10000xf32>
    %reduce_sum3A_15 = vector.multi_reduction <add>, %get3A_14, %reduce_sum3A [0] : vector<32x10000xf32> to vector<10000xf32>
    %reshape3A = vector.shape_cast %reduce_sum3A_15 : vector<10000xf32> to vector<10000x1xf32>
    %max3A = arith.constant 1.000000e+00 : f32
    %max3A_16 = vector.broadcast %max3A : f32 to vector<10000x1xf32>
    %max3A_17 = arith.maximumf %reshape3A, %max3A_16 : vector<10000x1xf32>
    %div3A = vector.broadcast %max3A_17 : vector<10000x1xf32> to vector<10000x128xf32>
    %div3A_18 = arith.divf %add3A, %div3A : vector<10000x128xf32>
    %get3A_19 = arith.constant 0 : index
    %get3A_20 = arith.constant 0 : index
    %get3A_21 = vector.load %arg3[%get3A_19, %get3A_20] : memref<128x128xf32, #tpu.memory_space<vmem>>, vector<128x128xf32>
    %dot_general3A = arith.constant dense<0.000000e+00> : vector<10000x128xf32>
    %dot_general3A_22 = tpu.matmul %get3A_1, %get3A_21, %dot_general3A {dimension_numbers = #tpu.dot_dimension_numbers<[1], [0], [0], [1], [0, 0, 1, 1], [], []>, transpose_lhs_hint = false} : vector<10000x128xf32>, vector<128x128xf32>, vector<10000x128xf32> -> vector<10000x128xf32>
    %get3A_23 = arith.constant 0 : index
    %get3A_24 = arith.constant 0 : index
    %get3A_25 = vector.load %arg4[%get3A_23, %get3A_24] : memref<128x128xf32, #tpu.memory_space<vmem>>, vector<128x128xf32>
    %dot_general3A_26 = arith.constant dense<0.000000e+00> : vector<10000x128xf32>
    %dot_general3A_27 = tpu.matmul %div3A_18, %get3A_25, %dot_general3A_26 {dimension_numbers = #tpu.dot_dimension_numbers<[1], [0], [0], [1], [0, 0, 1, 1], [], []>, transpose_lhs_hint = false} : vector<10000x128xf32>, vector<128x128xf32>, vector<10000x128xf32> -> vector<10000x128xf32>
    %add3A_28 = arith.addf %dot_general3A_22, %dot_general3A_27 : vector<10000x128xf32>
    %get3A_29 = arith.constant 0 : index
    %get3A_30 = arith.constant 0 : index
    %get3A_31 = vector.load %arg5[%get3A_29, %get3A_30] : memref<1x128xf32, #tpu.memory_space<vmem>>, vector<1x128xf32>
    %add3A_32 = vector.broadcast %get3A_31 : vector<1x128xf32> to vector<10000x128xf32>
    %add3A_33 = arith.addf %add3A_28, %add3A_32 : vector<10000x128xf32>
    %max3A_34 = arith.constant 0.000000e+00 : f32
    %max3A_35 = vector.broadcast %max3A_34 : f32 to vector<10000x128xf32>
    %max3A_36 = arith.maximumf %add3A_33, %max3A_35 : vector<10000x128xf32>
    %add3A_37 = arith.addf %max3A_36, %get3A_1 : vector<10000x128xf32>
    %swap3A = arith.constant 0 : index
    %swap3A_38 = arith.constant 0 : index
    %swap3A_39 = vector.load %arg6[%swap3A, %swap3A_38] : memref<10000x128xf32, #tpu.memory_space<vmem>>, vector<10000x128xf32>
    tpu.vector_store %arg6[%swap3A, %swap3A_38], %add3A_37 {strides = array<i32>} : memref<10000x128xf32, #tpu.memory_space<vmem>>, vector<10000x128xf32>,
    return
  }
}

</mosaic_0001>

<sc_bundles>
// kernel: kernel.11.cloned.1.call-start
scs
__scs_entry_jumppad:
0x0: {  	(pc) =	sbr.rel $0x88, $3  }
0x1: {  	(tag) =	ssettag $0x0;
	lr =	simm.s32 $0x1  }
0x2: {  	[smem:$0x3F9A] =	sst lr;
	_ =	strace $0xD0000000  }
0x3: {  	_ = 	snop  }
0x4: {  	_ = 	snop  }
0x5: {  	_ = 	snop  }
0x6: {  	_ = 	snop  }
0x7: {  	_ = 	snop  }
__scs_overlays_trampoline_lowered:
0x8: {  	[smem:$0x3FA9] =	sst s0  }
0x9: {  	[smem:$0x3FAA] =	sst s1  }
0xa: {  	[smem:$0x3FAB] =	sst s2  }
0xb: {  	[smem:$0x3FAC] =	sst s3  }
0xc: {  	[smem:$0x3FAD] =	sst s4  }
0xd: {  	[smem:$0x3FAE] =	sst s5  }
0xe: {  	[smem:$0x3FAF] =	sst s6  }
0xf: {  	[smem:$0x3FB0] =	sst s7  }
0x10: {  	[smem:$0x3FB1] =	sst s8  }
0x11: {  	[smem:$0x3FB2] =	sst s9;
	s0 =	simm.s32 @!p0 $0x0  }
0x12: {  	s1 =	sld [smem:$0x3F98];
	s0 =	simm.s32 @p0 $0x1  }
0x13: {  	[smem:$0x3FB3] =	sst s0;
	s0 =	simm.s32 @!p1 $0x0  }
0x14: {  	s2 =	sld [smem:$0x3F97];
	s0 =	simm.s32 @p1 $0x1  }
0x15: {  	[smem:$0x3FB4] =	sst s0;
	s0 =	simm.s32 @!p2 $0x0  }
0x16: {  	s3 =	sld [smem:$0x3FDB];
	s0 =	simm.s32 @p2 $0x1  }
0x17: {  	s4 =	simm.s32 $0x1BF5;
	[smem:$0x3FB6] =	sst s0  }
0x18: {  	s0 =	sld [smem:$0x3F99];
	_ =	swait.ge [sflag:s4], $0x0  }
0x19: {  	s7 =	sld [smem:$0x3F9A]  }
0x1a: {  	s8 =	sadd.s32 $0xFFFFE003, lr  }
0x1b: {  	s9 =	sadd.s32 $0xFFFFFEF7, lr;
	s5 =	simm.s32 $0xFFFFFFFF;
	p2 =	slt.u32 s8, $0xFFFFF086  }
0x1c: {  	p1 =	slt.u32 s9, $0xF7A;
	s5 =	simm.s32 @!p2 $0x0  }
0x1d: {  	s5 =	simm.s32 @p1 $0x1;
	p0 =	seq.s32 s7, s2  }
0x1e: {  	s7 =	smul.u32 @!p0 $0xF7A, s2;
	p2 =	seq.s32 @!p0 s5, $0x0  }
0x1f: {  	s9 =	smul.u32 $0xF7A, s1;
	s8 =	simm.s32 @!p0 $0x1BF5;
	p2 =	por !p2, p0  }
0x20: {  	[sflag:s8] =	ssyncset.s32 @!p0 $0xFFFFF086;
	s6 =	sadd.s32 @!p0 s3, s7;
	s7 =	simm.s32 @!p0 $0x108  }
0x21: {  	s3 =	sadd.s32 s3, s9;
	s6 =	sadd.s32 @!p0 $0x88, s6;
	s7 =	simm.s32 @p2 $0x1082  }
0x22: {  	[simem:s7], [sflag:s8] =	dma.local @!p0 [hbm:s6], $0xF7A  }
0x23: {  	s9 =	sor.u32 $0xD0000000, s2;
	s6 =	simm.s32 $0x108;
	_ =	swait.ge @!p0 [sflag:s8], $0x0  }
0x24: {  	s3 =	sadd.s32 $0x88, s3;
	s6 =	simm.s32 @!p1 $0x1082;
	[sflag:s4] =	ssyncset.s32 $0xFFFFF086  }
0x25: {  	[simem:s6], [sflag:s4] =	dma.local [hbm:s3], $0xF7A  }
0x26: {  	[smem:$0x3F9A] =	sst s1;
	(tag) =	ssettag s2;
	_ =	strace s9  }
0x27: {  	s1 =	sld [smem:$0x3FAA]  }
0x28: {  	s2 =	sld [smem:$0x3FAB]  }
0x29: {  	s4 =	sld [smem:$0x3FAD]  }
0x2a: {  	p0 =	seq.s32 s5, $0x0;
	s5 =	sld [smem:$0x3FAE]  }
0x2b: {  	s6 =	sld [smem:$0x3FAF]  }
0x2c: {  	s7 =	sld [smem:$0x3FB0]  }
0x2d: {  	s3 =	simm.s32 $0x108;
	s8 =	sld [smem:$0x3FB1]  }
0x2e: {  	s3 =	simm.s32 @!p0 $0x1082;
	s9 =	sld [smem:$0x3FB2]  }
0x2f: {  	lr =	sadd.s32 s0, s3;
	s0 =	sld [smem:$0x3FA9]  }
0x30: {  	s3 =	sld [smem:$0x3FAC]  }
0x31: {  	[smem:$0x3FB5] =	sst s10  }
0x32: {  	s10 =	sld [smem:$0x3FB3];
	_ =	sdelay $0x3  }
0x33: {  	p0 =	seq.s32 s10, $0x1;
	s10 =	sld [smem:$0x3FB5];
	_ =	sdelay $0x3  }
0x34: {  	[smem:$0x3FB5] =	sst s10  }
0x35: {  	s10 =	sld [smem:$0x3FB4];
	_ =	sdelay $0x3  }
0x36: {  	p1 =	seq.s32 s10, $0x1;
	s10 =	sld [smem:$0x3FB5];
	_ =	sdelay $0x3  }
0x37: {  	[smem:$0x3FB5] =	sst s10  }
0x38: {  	s10 =	sld [smem:$0x3FB6]  }
0x39: {  	_ = 	snop;
	(pc) =	sbr.ind lr, $3  }
0x3a: {  	_ = 	snop  }
0x3b: {  	_ = 	snop  }
0x3c: {  	p2 =	seq.s32 s10, $0x1;
	s10 =	sld [smem:$0x3FB5]  }
0x3d: {  	_ =	shalt  }
0x3e: {  	_ =	shalt  }
0x3f: {  	_ =	shalt  }
0x40: {  	_ =	shalt  }
0x41: {  	_ =	shalt  }
0x42: {  	_ =	shalt  }
0x43: {  	_ =	shalt  }
0x44: {  	_ =	shalt  }
0x45: {  	_ =	shalt  }
0x46: {  	_ =	shalt  }
0x47: {  	_ =	shalt  }
0x48: {  	_ =	shalt  }
0x49: {  	_ =	shalt  }
0x4a: {  	_ =	shalt  }
0x4b: {  	_ =	shalt  }
0x4c: {  	_ =	shalt  }
0x4d: {  	_ =	shalt  }
0x4e: {  	_ =	shalt  }
0x4f: {  	_ =	shalt  }
0x50: {  	_ =	shalt  }
0x51: {  	_ =	shalt  }
0x52: {  	_ =	shalt  }
0x53: {  	_ =	shalt  }
0x54: {  	_ =	shalt  }
0x55: {  	_ =	shalt  }
0x56: {  	_ =	shalt  }
0x57: {  	_ =	shalt  }
0x58: {  	_ =	shalt  }
0x59: {  	_ =	shalt  }
0x5a: {  	_ =	shalt  }
0x5b: {  	_ =	shalt  }
0x5c: {  	_ =	shalt  }
0x5d: {  	_ =	shalt  }
0x5e: {  	_ =	shalt  }
0x5f: {  	_ =	shalt  }
0x60: {  	_ =	shalt  }
0x61: {  	_ =	shalt  }
0x62: {  	_ =	shalt  }
0x63: {  	_ =	shalt  }
0x64: {  	_ =	shalt  }
0x65: {  	_ =	shalt  }
0x66: {  	_ =	shalt  }
0x67: {  	_ =	shalt  }
0x68: {  	_ =	shalt  }
0x69: {  	_ =	shalt  }
0x6a: {  	_ =	shalt  }
0x6b: {  	_ =	shalt  }
0x6c: {  	_ =	shalt  }
0x6d: {  	_ =	shalt  }
0x6e: {  	_ =	shalt  }
0x6f: {  	_ =	shalt  }
0x70: {  	_ =	shalt  }
0x71: {  	_ =	shalt  }
0x72: {  	_ =	shalt  }
0x73: {  	_ =	shalt  }
0x74: {  	_ =	shalt  }
0x75: {  	_ =	shalt  }
0x76: {  	_ =	shalt  }
0x77: {  	_ =	shalt  }
0x78: {  	_ =	shalt  }
0x79: {  	_ =	shalt  }
0x7a: {  	_ =	shalt  }
0x7b: {  	_ =	shalt  }
0x7c: {  	_ =	shalt  }
0x7d: {  	_ =	shalt  }
0x7e: {  	_ =	shalt  }
0x7f: {  	_ =	shalt  }
0x80: {  	_ =	shalt  }
0x81: {  	_ =	shalt  }
0x82: {  	_ =	shalt  }
0x83: {  	_ =	shalt  }
0x84: {  	_ =	shalt  }
0x85: {  	_ =	shalt  }
0x86: {  	_ =	shalt  }
0x87: {  	_ =	shalt  }
.Lfunc_end0:
.L_simem_size_0:
called_computation.1_lowered:
.L_overlay_start_0:
0x88: {  	s2 =	sld [smem:$0x3FD9]  }
0x89: {  	s3 =	sld [smem:$0x3FFE];
	_ =	sdelay $0x1  }
0x8a: {  	s1 =	srdreg.scid  }
0x8b: {  	s0 =	sand.u32 $0x1, s1  }
0x8c: {  	s17 =	sshll.u32 s0, $0xA;
	s2 =	sadd.s32 s3, s2  }
0x8d: {  	s2 =	sadd.s32 s2, s17  }
0x8e: {  	[smem:$0x3FC1] =	sst s2  }
0x8f: {  	_ = 	snop  }
0x90: {  	(tm) =	ssettm $0x1  }
0x91: {  	s18 =	sld [smem:$0x3FFB];
	_ =	sdelay $0x3  }
0x92: {  	_ =	strace s18  }
0x93: {  	s2 =	sld [smem:$0x3FFC];
	_ =	sdelay $0x3  }
0x94: {  	_ =	strace s2  }
0x95: {  	s2 =	sld [smem:$0x3FFD];
	_ =	sdelay $0x3  }
0x96: {  	_ =	strace s2  }
0x97: {  	_ =	strace $0x8FFFFFFF  }
0x98: {  	s19 =	sld [smem:$0x3FDB];
	_ =	sdelay $0x1  }
0x99: {  	s20 =	simm.s32 $_scs_section_size  }
0x9a: {  	s4 =	simm.s32 $_size__tile_overlayer_lowered;
	s5 =	simm.s32 $_tile_overlayer_lowered  }
0x9b: {  	s6 =	simm.s32 $0x1BFF;
	s21 =	sshll.u32 s5, $0x1;
	s3 =	sadd.s32 s20, s19  }
0x9c: {  	s22 =	simm.s32 $0x0;
	s4 =	sshll.u32 s4, $0x1;
	s5 =	sadd.s32 s21, s3  }
0x9d: {  	[timem:s22], [sflag:s6] =	dma.local [hbm:s5], s4  }
0x9e: {  	_ =	swait.ge [sflag:s6], s4  }
0x9f: {  	s4 =	ssub.s32 $0x0, s4;
	[sflag:s6] =	ssyncset.done $0x0  }
0xa0: {  	[sflag:s6] =	ssyncadd.s32 s4;
	_ =	sdelay $0x1  }
0xa1: {  	s23 =	simm.s32 $0x1B8B  }
0xa2: {  	_ =	swait.ge [sflag:s23], $0x1  }
0xa3: {  	[sflag:s23] =	ssyncset.done $0x0  }
0xa4: {  	[sflag:s23] =	ssyncadd.s32 $0xFFFFFFFF  }
0xa5: {  	s4 =	sld [smem:$0x0]  }
0xa6: {  	s5 =	sand.u32 $0xFFFFFFFE, s1  }
0xa7: {  	p0 =	sne.s32 s1, s5  }
0xa8: {  	s5 =	sshll.u32 @p0 s5, $0xE  }
0xa9: {  	s5 =	sadd.s32 @p0 $0x11B8D, s5;
	s6 =	sshll.u32 @p0 s4, $0x11  }
0xaa: {  	s5 =	sor.u32 @p0 s6, s5  }
0xab: {  	[sflag:s5] =	ssyncadd.remote.s32 @p0 $0x1;
	_ =	sdelay $0x1  }
0xac: {  	s5 =	simm.s32 @p0 $0x1B8D  }
0xad: {  	_ =	swait.eq @p0 [sflag:s5], $0x1  }
0xae: {  	[sflag:s5] =	ssyncadd.s32 @p0 $0xFFFFFFFF  }
0xaf: {  	s6 =	sshll.u32 @!p0 s1, $0xE  }
0xb0: {  	s6 =	sor.u32 @!p0 $0x4000, s6;
	s5 =	simm.s32 @!p0 $0x1B8D  }
0xb1: {  	s4 =	sshll.u32 @!p0 s4, $0x11;
	s6 =	sadd.s32 @!p0 $0x11B8D, s6;
	_ =	swait.eq @!p0 [sflag:s5], $0x1  }
0xb2: {  	s4 =	sor.u32 @!p0 s4, s6;
	[sflag:s5] =	ssyncadd.s32 @!p0 $0xFFFFFFFF  }
0xb3: {  	s25 =	simm.s32 $0x1B8E;
	s24 =	sld [smem:$0x3FFE];
	[sflag:s4] =	ssyncadd.remote.s32 @!p0 $0x1  }
0xb4: {  	s26 =	simm.s32 $execute0_lowered;
	[smem:$0x3FD2] =	sst s25  }
0xb5: {  	s5 =	sshll.u32 s26, $0x1;
	_ =	strace $0x80000049;
	[dreg:$0x1] =	wrdreg $0xFFFFFFFF  }
0xb6: {  	s28 =	simm.s32 $_size_execute0_lowered;
	s3 =	sadd.s32 s3, s5;
	[dreg:$0x0] =	wrdreg $0x0  }
0xb7: {  	s5 =	sshll.u32 s28, $0x1;
	[dreg:$0x2] =	wrdreg s3  }
0xb8: {  	[dreg:$0x3] =	wrdreg s5  }
0xb9: {  	[dreg:$0x4] =	wrdreg $0xC0  }
0xba: {  	_ =	task [dreg:s22], $0x5FFFF  }
0xbb: {  	[dreg:$0x1] =	wrdreg $0xFFFFFFFF  }
0xbc: {  	[dreg:$0x0] =	wrdreg $0x60  }
0xbd: {  	[dreg:$0x2] =	wrdreg s24  }
0xbe: {  	[dreg:$0x3] =	wrdreg $0x9  }
0xbf: {  	_ =	task.clear_ibuf [dreg:s22], $0x4FFFF;
	_ =	strace $0x90000049  }
0xc0: {  	s29 =	simm.s32 $0x9;
	_ =	strace $0x8000004B  }
0xc1: {  	_ =	swait.ge [sflag:s29], $0x1  }
0xc2: {  	[sflag:s29] =	ssyncadd.s32 $0xFFFFFFFF  }
0xc3: {  	_ =	strace $0x9000004B  }
0xc4: {  	_ =	sfence  }
0xc5: {  	s30 =	sld [smem:$0x0];
	_ =	sdelay $0x2  }
0xc6: {  	s31 =	sshll.u32 s1, $0xD;
	s1 =	sshrl.u32 s1, $0x2  }
0xc7: {  	s4 =	sand.u32 $0x4000, s31;
	s1 =	sadd.s32 s1, s30  }
0xc8: {  	s0 =	sor.u32 s4, s0;
	s1 =	sshll.u32 s1, $0x11  }
0xc9: {  	s0 =	sor.u32 s1, s0  }
0xca: {  	s0 =	sadd.s32 $0x8F2B, s0  }
0xcb: {  	[sflag:s0] =	ssyncadd.remote.s32 $0x1  }
0xcc: {  	_ =	sfence.sel $0xFFFF  }
0xcd: {  	[dreg:$0x0] =	wrdreg $0xFFFFFFFF;
	(pc) =	sbr.abs _section_cstart, $3  }
0xce: {  	[dreg:$0x1] =	wrdreg $0xFFFFFFFF  }
0xcf: {  	_ =	task.clear_ibuf [dreg:s22], $0x2FFFF;
	_ =	strace $0x9FFFFFFF  }
0xd0: {  	(tm) =	ssettm $0x7FFFFFFF  }
0xd1: {  	_ =	shalt  }
tec
execute0_lowered:
.L_overlay_start_1:
0x0: {  	(tag) =	ssettag $0x1  }
0x1: {  	s1 =	srdreg.scid  }
0x2: {  	s0 =	stileid.u32;
	s5 =	rddreg [dreg:$0x0]  }
0x3: {  	s6 =	simm.s32 $0x80;
	s7 =	simm.s32 $0x400;
	s8 =	simm.s32 $0x1  }
0x4: {  	s3 =	sand.u32 $0x1, s1;
	s29 =	sshrl.u32 s0, $0x2;
	s2 =	sshll.u32 s0, $0x8  }
0x5: {  	s4 =	smul.u32 $0x13C00, s29;
	s30 =	sshll.u32 s3, $0x7;
	s2 =	sand.u32 $0x300, s2  }
0x6: {  	s9 =	simm.s32 $0x2780;
	s1 =	rddreg [dreg:$0x1];
	s2 =	sor.u32 s30, s2  }
0x7: {  	s3 =	ssub.s32 $0x2, s3;
	s4 =	sor.u32 s4, s2;
	s2 =	simm.s32 $0x0  }
0x8: {  	s31 =	sshrl.u32 s3, $0x1;
	s4 =	sshrl.u32 s4, $0x3;
	[smem:$0x7FF] =	sst s2  }
0x9: {  	s4 =	sadd.s32 s4, s5;
	_ =	strace $0x8000004A;
	s5 =	ssub.s32 s3, s31  }
0xa: {  	v0 =	vimm.f32 $0.0e+00;
	s3 =	sadd.s32 $0x50C800, s4;
	s4 =	sadd.s32 $0x516600, s4;
	s5 =	smax.u32 s5, $0x1  }
.LBB2_1:
0xb: {  	s10 =	simm.s32 $0x40;
	s11 =	simm.s32 $0x0  }
.LBB2_2:
0xc: {  	p0 =	sne.s32 s10, $0x9C00;
	[tilespmem:s11+$0x2780] =	vst v0;
	s11 =	smov.u32 s10;
	s10 =	sadd.s32 $0x40, s10  }
.Ltmp0:
0xd: {  	(pc) =	sbr.rel @p0 .LBB2_2-.Ltmp0, $2  }
0xe: {  	_ =	sdelay $0x2  }
0xf: {  	s11 =	sshra.s32 s11, $0x2  }
0x10: {  	[tilespmem:s11+$0x2780] =	vst v0;
	s10 =	simm.s32 $0x0  }
0x11: {  	[tilespmem:s10], [sflag:$0x1] =	stream.strided.gather [hbm4b:s3+s6], $0x2780, s7, s6, $0x38;
	[tilespmem:$0x4F00] =	vst v63  }
0x12: {  	_ =	swait.ge [sflag:s8], $0x2780  }
0x13: {  	[sflag:s8] =	ssyncset.done $0x0  }
0x14: {  	s11 =	simm.s32 $0x0;
	s10 =	simm.s32 $0x40;
	[sflag:s8] =	ssyncadd.s32 $0xFFFFD880  }
.LBB2_4:
0x15: {  	p0 =	sne.s32 s10, $0x9C00;
	v1 =	vld [tilespmem:s11+$0x0];
	_ =	sdelay $0x4  }
0x16: {  	(xrf1) =	vunique.msk.u32 $0xffff, v1;
	_ =	sdelay $0xd  }
0x17: {  	_, v2, vm0 =	vpop (xrf1);
	_ =	sdelay $0x1  }
.Ltmp1:
0x18: {  	(pc) =	sbr.rel @p0 .LBB2_4-.Ltmp1, $3  }
0x19: {  	_ = 	snop  }
0x1a: {  	v2 =	vcvt.s32.f32 v2;
	_ =	sdelay $0x1  }
0x1b: {  	s11 =	sshra.s32 s10, $0x2;
	s10 =	sadd.s32 $0x40, s10;
	[tilespmem:v1+s9+$0x0] =	vst.idx.add.f32.msk vm0, v2  }
0x1c: {  	v1 =	vld [tilespmem:s11+$0x0];
	_ =	sdelay $0x4  }
0x1d: {  	(xrf1) =	vunique.msk.u32 $0xffff, v1;
	_ =	sdelay $0xd  }
0x1e: {  	_, v2, vm0 =	vpop (xrf1);
	_ =	sdelay $0x3  }
0x1f: {  	s2 =	sadd.s32 $0x1, s2;
	v2 =	vcvt.s32.f32 v2  }
0x20: {  	p0 =	sne.s32 s2, s5  }
.Ltmp2:
0x21: {  	[tilespmem:v1+s9+$0x0] =	vst.idx.add.f32.msk vm0, v2;
	(pc) =	sbr.rel @p0 .LBB2_1-.Ltmp2, $4  }
0x22: {  	[hbm4b:s4+s6] =	stream.strided.scatter [tilespmem:s9], [sflag:$0x1], $0x2780, s7, s6, $0x38;
	[tilespmem:$0x4F00] =	vst v63  }
0x23: {  	_ =	swait.ge [sflag:s8], $0x2780  }
0x24: {  	[sflag:s8] =	ssyncset.done $0x0  }
0x25: {  	[sflag:s8] =	ssyncadd.s32 $0xFFFFD880  }
0x26: {  	_ =	sfence.sel $0x180000  }
0x27: {  	[bflag:$0x0] =	sbarrier.arrive $0xFFFF  }
0x28: {  	p0 =	sne.s32 s0, $0x0;
	_ =	strace $0x9000004A  }
0x29: {  	s0 =	sadd.s32 @!p0 $0x100000, s1;
	[bflag:$0x2] =	sbarrier.arrive $0xFFFF  }
0x2a: {  	[sflag:s0] =	ssyncadd.tile.s32 @!p0 $0x1;
	_ =	shalt  }
.Lfunc_end2:
_tile_overlayer_lowered:
.L_overlay_start_2:
0x2b: {  	(tag) =	ssettag $0x2  }
0x2c: {  	s0 =	rddreg [dreg:$0x0];
	s2 =	stileid.u32  }
0x2d: {  	s1 =	rddreg [dreg:$0x1];
	p0 =	sne.s32 s2, $0x0  }
0x2e: {  	s3 =	rddreg [dreg:$0x2];
	[bflag:$0x3] =	sbarrier.arrive $0xFFFF;
	s2 =	simm.s32 @!p0 $0x1C01  }
0x2f: {  	[timem:s3], [sflag:s2] =	dma.local @!p0 [hbm:s0], s1  }
0x30: {  	s0 =	simm.s32 @!p0 $0x1  }
0x31: {  	_ =	swait.ge @!p0 [sflag:s0], s1  }
0x32: {  	s1 =	ssub.s32 @!p0 $0x0, s1;
	[sflag:s0] =	ssyncset.done @!p0 $0x0  }
0x33: {  	[sflag:s0] =	ssyncadd.s32 @!p0 s1  }
0x34: {  	[bflag:$0x3] =	sbarrier.arrive $0xFFFF  }
0x35: {  	_ =	shalt  }

// kernel: kernel.14.cloned.1.call-start
scs
__scs_entry_jumppad:
0x0: {  	(pc) =	sbr.rel $0x88, $3  }
0x1: {  	(tag) =	ssettag $0x0;
	lr =	simm.s32 $0x1  }
0x2: {  	[smem:$0x3F9A] =	sst lr;
	_ =	strace $0xD0000000  }
0x3: {  	_ = 	snop  }
0x4: {  	_ = 	snop  }
0x5: {  	_ = 	snop  }
0x6: {  	_ = 	snop  }
0x7: {  	_ = 	snop  }
__scs_overlays_trampoline_lowered:
0x8: {  	[smem:$0x3FA9] =	sst s0  }
0x9: {  	[smem:$0x3FAA] =	sst s1  }
0xa: {  	[smem:$0x3FAB] =	sst s2  }
0xb: {  	[smem:$0x3FAC] =	sst s3  }
0xc: {  	[smem:$0x3FAD] =	sst s4  }
0xd: {  	[smem:$0x3FAE] =	sst s5  }
0xe: {  	[smem:$0x3FAF] =	sst s6  }
0xf: {  	[smem:$0x3FB0] =	sst s7  }
0x10: {  	[smem:$0x3FB1] =	sst s8  }
0x11: {  	[smem:$0x3FB2] =	sst s9;
	s0 =	simm.s32 @!p0 $0x0  }
0x12: {  	s1 =	sld [smem:$0x3F98];
	s0 =	simm.s32 @p0 $0x1  }
0x13: {  	[smem:$0x3FB3] =	sst s0;
	s0 =	simm.s32 @!p1 $0x0  }
0x14: {  	s2 =	sld [smem:$0x3F97];
	s0 =	simm.s32 @p1 $0x1  }
0x15: {  	[smem:$0x3FB4] =	sst s0;
	s0 =	simm.s32 @!p2 $0x0  }
0x16: {  	s3 =	sld [smem:$0x3FDB];
	s0 =	simm.s32 @p2 $0x1  }
0x17: {  	s4 =	simm.s32 $0x1BF5;
	[smem:$0x3FB6] =	sst s0  }
0x18: {  	s0 =	sld [smem:$0x3F99];
	_ =	swait.ge [sflag:s4], $0x0  }
0x19: {  	s7 =	sld [smem:$0x3F9A]  }
0x1a: {  	s8 =	sadd.s32 $0xFFFFE003, lr  }
0x1b: {  	s9 =	sadd.s32 $0xFFFFFEF7, lr;
	s5 =	simm.s32 $0xFFFFFFFF;
	p2 =	slt.u32 s8, $0xFFFFF086  }
0x1c: {  	p1 =	slt.u32 s9, $0xF7A;
	s5 =	simm.s32 @!p2 $0x0  }
0x1d: {  	s5 =	simm.s32 @p1 $0x1;
	p0 =	seq.s32 s7, s2  }
0x1e: {  	s7 =	smul.u32 @!p0 $0xF7A, s2;
	p2 =	seq.s32 @!p0 s5, $0x0  }
0x1f: {  	s9 =	smul.u32 $0xF7A, s1;
	s8 =	simm.s32 @!p0 $0x1BF5;
	p2 =	por !p2, p0  }
0x20: {  	[sflag:s8] =	ssyncset.s32 @!p0 $0xFFFFF086;
	s6 =	sadd.s32 @!p0 s3, s7;
	s7 =	simm.s32 @!p0 $0x108  }
0x21: {  	s3 =	sadd.s32 s3, s9;
	s6 =	sadd.s32 @!p0 $0x88, s6;
	s7 =	simm.s32 @p2 $0x1082  }
0x22: {  	[simem:s7], [sflag:s8] =	dma.local @!p0 [hbm:s6], $0xF7A  }
0x23: {  	s9 =	sor.u32 $0xD0000000, s2;
	s6 =	simm.s32 $0x108;
	_ =	swait.ge @!p0 [sflag:s8], $0x0  }
0x24: {  	s3 =	sadd.s32 $0x88, s3;
	s6 =	simm.s32 @!p1 $0x1082;
	[sflag:s4] =	ssyncset.s32 $0xFFFFF086  }
0x25: {  	[simem:s6], [sflag:s4] =	dma.local [hbm:s3], $0xF7A  }
0x26: {  	[smem:$0x3F9A] =	sst s1;
	(tag) =	ssettag s2;
	_ =	strace s9  }
0x27: {  	s1 =	sld [smem:$0x3FAA]  }
0x28: {  	s2 =	sld [smem:$0x3FAB]  }
0x29: {  	s4 =	sld [smem:$0x3FAD]  }
0x2a: {  	p0 =	seq.s32 s5, $0x0;
	s5 =	sld [smem:$0x3FAE]  }
0x2b: {  	s6 =	sld [smem:$0x3FAF]  }
0x2c: {  	s7 =	sld [smem:$0x3FB0]  }
0x2d: {  	s3 =	simm.s32 $0x108;
	s8 =	sld [smem:$0x3FB1]  }
0x2e: {  	s3 =	simm.s32 @!p0 $0x1082;
	s9 =	sld [smem:$0x3FB2]  }
0x2f: {  	lr =	sadd.s32 s0, s3;
	s0 =	sld [smem:$0x3FA9]  }
0x30: {  	s3 =	sld [smem:$0x3FAC]  }
0x31: {  	[smem:$0x3FB5] =	sst s10  }
0x32: {  	s10 =	sld [smem:$0x3FB3];
	_ =	sdelay $0x3  }
0x33: {  	p0 =	seq.s32 s10, $0x1;
	s10 =	sld [smem:$0x3FB5];
	_ =	sdelay $0x3  }
0x34: {  	[smem:$0x3FB5] =	sst s10  }
0x35: {  	s10 =	sld [smem:$0x3FB4];
	_ =	sdelay $0x3  }
0x36: {  	p1 =	seq.s32 s10, $0x1;
	s10 =	sld [smem:$0x3FB5];
	_ =	sdelay $0x3  }
0x37: {  	[smem:$0x3FB5] =	sst s10  }
0x38: {  	s10 =	sld [smem:$0x3FB6]  }
0x39: {  	_ = 	snop;
	(pc) =	sbr.ind lr, $3  }
0x3a: {  	_ = 	snop  }
0x3b: {  	_ = 	snop  }
0x3c: {  	p2 =	seq.s32 s10, $0x1;
	s10 =	sld [smem:$0x3FB5]  }
0x3d: {  	_ =	shalt  }
0x3e: {  	_ =	shalt  }
0x3f: {  	_ =	shalt  }
0x40: {  	_ =	shalt  }
0x41: {  	_ =	shalt  }
0x42: {  	_ =	shalt  }
0x43: {  	_ =	shalt  }
0x44: {  	_ =	shalt  }
0x45: {  	_ =	shalt  }
0x46: {  	_ =	shalt  }
0x47: {  	_ =	shalt  }
0x48: {  	_ =	shalt  }
0x49: {  	_ =	shalt  }
0x4a: {  	_ =	shalt  }
0x4b: {  	_ =	shalt  }
0x4c: {  	_ =	shalt  }
0x4d: {  	_ =	shalt  }
0x4e: {  	_ =	shalt  }
0x4f: {  	_ =	shalt  }
0x50: {  	_ =	shalt  }
0x51: {  	_ =	shalt  }
0x52: {  	_ =	shalt  }
0x53: {  	_ =	shalt  }
0x54: {  	_ =	shalt  }
0x55: {  	_ =	shalt  }
0x56: {  	_ =	shalt  }
0x57: {  	_ =	shalt  }
0x58: {  	_ =	shalt  }
0x59: {  	_ =	shalt  }
0x5a: {  	_ =	shalt  }
0x5b: {  	_ =	shalt  }
0x5c: {  	_ =	shalt  }
0x5d: {  	_ =	shalt  }
0x5e: {  	_ =	shalt  }
0x5f: {  	_ =	shalt  }
0x60: {  	_ =	shalt  }
0x61: {  	_ =	shalt  }
0x62: {  	_ =	shalt  }
0x63: {  	_ =	shalt  }
0x64: {  	_ =	shalt  }
0x65: {  	_ =	shalt  }
0x66: {  	_ =	shalt  }
0x67: {  	_ =	shalt  }
0x68: {  	_ =	shalt  }
0x69: {  	_ =	shalt  }
0x6a: {  	_ =	shalt  }
0x6b: {  	_ =	shalt  }
0x6c: {  	_ =	shalt  }
0x6d: {  	_ =	shalt  }
0x6e: {  	_ =	shalt  }
0x6f: {  	_ =	shalt  }
0x70: {  	_ =	shalt  }
0x71: {  	_ =	shalt  }
0x72: {  	_ =	shalt  }
0x73: {  	_ =	shalt  }
0x74: {  	_ =	shalt  }
0x75: {  	_ =	shalt  }
0x76: {  	_ =	shalt  }
0x77: {  	_ =	shalt  }
0x78: {  	_ =	shalt  }
0x79: {  	_ =	shalt  }
0x7a: {  	_ =	shalt  }
0x7b: {  	_ =	shalt  }
0x7c: {  	_ =	shalt  }
0x7d: {  	_ =	shalt  }
0x7e: {  	_ =	shalt  }
0x7f: {  	_ =	shalt  }
0x80: {  	_ =	shalt  }
0x81: {  	_ =	shalt  }
0x82: {  	_ =	shalt  }
0x83: {  	_ =	shalt  }
0x84: {  	_ =	shalt  }
0x85: {  	_ =	shalt  }
0x86: {  	_ =	shalt  }
0x87: {  	_ =	shalt  }
.Lfunc_end0:
.L_simem_size_0:
called_computation.2_lowered:
.L_overlay_start_0:
0x88: {  	s2 =	sld [smem:$0x3FD9]  }
0x89: {  	s3 =	sld [smem:$0x3FFE];
	_ =	sdelay $0x1  }
0x8a: {  	s1 =	srdreg.scid  }
0x8b: {  	s0 =	sand.u32 $0x1, s1  }
0x8c: {  	s17 =	sshll.u32 s0, $0xA;
	s2 =	sadd.s32 s3, s2  }
0x8d: {  	s2 =	sadd.s32 s2, s17  }
0x8e: {  	[smem:$0x3FC1] =	sst s2  }
0x8f: {  	_ = 	snop  }
0x90: {  	(tm) =	ssettm $0x1  }
0x91: {  	s18 =	sld [smem:$0x3FFB];
	_ =	sdelay $0x3  }
0x92: {  	_ =	strace s18  }
0x93: {  	s2 =	sld [smem:$0x3FFC];
	_ =	sdelay $0x3  }
0x94: {  	_ =	strace s2  }
0x95: {  	s2 =	sld [smem:$0x3FFD];
	_ =	sdelay $0x3  }
0x96: {  	_ =	strace s2  }
0x97: {  	_ =	strace $0x8FFFFFFF  }
0x98: {  	s19 =	sld [smem:$0x3FDB];
	_ =	sdelay $0x1  }
0x99: {  	s20 =	simm.s32 $_scs_section_size  }
0x9a: {  	s4 =	simm.s32 $_size__tile_overlayer_lowered;
	s5 =	simm.s32 $_tile_overlayer_lowered  }
0x9b: {  	s6 =	simm.s32 $0x1BFF;
	s21 =	sshll.u32 s5, $0x1;
	s3 =	sadd.s32 s20, s19  }
0x9c: {  	s22 =	simm.s32 $0x0;
	s4 =	sshll.u32 s4, $0x1;
	s5 =	sadd.s32 s21, s3  }
0x9d: {  	[timem:s22], [sflag:s6] =	dma.local [hbm:s5], s4  }
0x9e: {  	_ =	swait.ge [sflag:s6], s4  }
0x9f: {  	s4 =	ssub.s32 $0x0, s4;
	[sflag:s6] =	ssyncset.done $0x0  }
0xa0: {  	[sflag:s6] =	ssyncadd.s32 s4;
	_ =	sdelay $0x1  }
0xa1: {  	s23 =	simm.s32 $0x1B8B  }
0xa2: {  	_ =	swait.ge [sflag:s23], $0x1  }
0xa3: {  	[sflag:s23] =	ssyncset.done $0x0  }
0xa4: {  	[sflag:s23] =	ssyncadd.s32 $0xFFFFFFFF  }
0xa5: {  	s4 =	sld [smem:$0x0]  }
0xa6: {  	s5 =	sand.u32 $0xFFFFFFFE, s1  }
0xa7: {  	p0 =	sne.s32 s1, s5  }
0xa8: {  	s5 =	sshll.u32 @p0 s5, $0xE  }
0xa9: {  	s5 =	sadd.s32 @p0 $0x11B8D, s5;
	s6 =	sshll.u32 @p0 s4, $0x11  }
0xaa: {  	s5 =	sor.u32 @p0 s6, s5  }
0xab: {  	[sflag:s5] =	ssyncadd.remote.s32 @p0 $0x1;
	_ =	sdelay $0x1  }
0xac: {  	s5 =	simm.s32 @p0 $0x1B8D  }
0xad: {  	_ =	swait.eq @p0 [sflag:s5], $0x1  }
0xae: {  	[sflag:s5] =	ssyncadd.s32 @p0 $0xFFFFFFFF  }
0xaf: {  	s6 =	sshll.u32 @!p0 s1, $0xE  }
0xb0: {  	s6 =	sor.u32 @!p0 $0x4000, s6;
	s5 =	simm.s32 @!p0 $0x1B8D  }
0xb1: {  	s4 =	sshll.u32 @!p0 s4, $0x11;
	s6 =	sadd.s32 @!p0 $0x11B8D, s6;
	_ =	swait.eq @!p0 [sflag:s5], $0x1  }
0xb2: {  	s4 =	sor.u32 @!p0 s4, s6;
	[sflag:s5] =	ssyncadd.s32 @!p0 $0xFFFFFFFF  }
0xb3: {  	s25 =	simm.s32 $0x1B8E;
	s24 =	sld [smem:$0x3FFE];
	[sflag:s4] =	ssyncadd.remote.s32 @!p0 $0x1  }
0xb4: {  	s26 =	simm.s32 $execute0_lowered;
	[smem:$0x3FD2] =	sst s25  }
0xb5: {  	s5 =	sshll.u32 s26, $0x1;
	_ =	strace $0x8000004C;
	[dreg:$0x1] =	wrdreg $0xFFFFFFFF  }
0xb6: {  	s28 =	simm.s32 $_size_execute0_lowered;
	s3 =	sadd.s32 s3, s5;
	[dreg:$0x0] =	wrdreg $0x0  }
0xb7: {  	s5 =	sshll.u32 s28, $0x1;
	[dreg:$0x2] =	wrdreg s3  }
0xb8: {  	[dreg:$0x3] =	wrdreg s5  }
0xb9: {  	[dreg:$0x4] =	wrdreg $0xC0  }
0xba: {  	_ =	task [dreg:s22], $0x5FFFF  }
0xbb: {  	[dreg:$0x1] =	wrdreg $0xFFFFFFFF  }
0xbc: {  	[dreg:$0x0] =	wrdreg $0x60  }
0xbd: {  	[dreg:$0x2] =	wrdreg s24  }
0xbe: {  	[dreg:$0x3] =	wrdreg $0x51000  }
0xbf: {  	[dreg:$0x4] =	wrdreg $0xA  }
0xc0: {  	_ =	task.clear_ibuf [dreg:s22], $0x5FFFF;
	_ =	strace $0x9000004C  }
0xc1: {  	s29 =	simm.s32 $0xA;
	_ =	strace $0x8000004E  }
0xc2: {  	_ =	swait.ge [sflag:s29], $0x1  }
0xc3: {  	[sflag:s29] =	ssyncadd.s32 $0xFFFFFFFF  }
0xc4: {  	_ =	strace $0x9000004E  }
0xc5: {  	_ =	sfence  }
0xc6: {  	s30 =	sld [smem:$0x0];
	_ =	sdelay $0x2  }
0xc7: {  	s31 =	sshll.u32 s1, $0xD;
	s1 =	sshrl.u32 s1, $0x2  }
0xc8: {  	s4 =	sand.u32 $0x4000, s31;
	s1 =	sadd.s32 s1, s30  }
0xc9: {  	s0 =	sor.u32 s4, s0;
	s1 =	sshll.u32 s1, $0x11  }
0xca: {  	s0 =	sor.u32 s1, s0  }
0xcb: {  	s0 =	sadd.s32 $0x8F2B, s0  }
0xcc: {  	[sflag:s0] =	ssyncadd.remote.s32 $0x1  }
0xcd: {  	_ =	sfence.sel $0xFFFF  }
0xce: {  	[dreg:$0x0] =	wrdreg $0xFFFFFFFF;
	(pc) =	sbr.abs _section_cstart, $3  }
0xcf: {  	[dreg:$0x1] =	wrdreg $0xFFFFFFFF  }
0xd0: {  	_ =	task.clear_ibuf [dreg:s22], $0x2FFFF;
	_ =	strace $0x9FFFFFFF  }
0xd1: {  	(tm) =	ssettm $0x7FFFFFFF  }
tec
execute0_lowered:
.L_overlay_start_1:
0x0: {  	(tag) =	ssettag $0x1  }
0x1: {  	s24 =	stileid.u32  }
0x2: {  	s0 =	srdreg.scid;
	s8 =	smul.u32 $0x2800, s24  }
0x3: {  	s1 =	sand.u32 $0x1, s0;
	s22 =	smul.u32 $0x271000, s24  }
0x4: {  	s5 =	rddreg [dreg:$0x0];
	s7 =	sor.u32 $0x10, s24;
	s4 =	smul.u32 $0x138800, s1  }
0x5: {  	s2 =	rddreg [dreg:$0x1];
	s9 =	sor.u32 $0x20, s24;
	s10 =	smul.u32 $0x2800, s7  }
0x6: {  	s3 =	simm.s32 $0x0;
	s11 =	sor.u32 $0x30, s24;
	s12 =	smul.u32 $0x2800, s9  }
0x7: {  	s25 =	sshll.u32 s24, $0x1;
	s13 =	sor.u32 $0x40, s24;
	s14 =	smul.u32 $0x2800, s11  }
0x8: {  	[smem:$0x7FF] =	sst s3;
	s17 =	sor.u32 $0x50, s24;
	s16 =	smul.u32 $0x2800, s13  }
0x9: {  	s15 =	sadd.s32 $0x540400, s5;
	s18 =	sor.u32 $0x60, s24;
	s19 =	smul.u32 $0x2800, s17  }
0xa: {  	s23 =	sor.u32 $0x70, s24;
	s0 =	sor.u32 s1, s25;
	s21 =	smul.u32 $0x2800, s18  }
0xb: {  	_ =	strace $0x8000004D;
	s1 =	ssub.s32 $0x2, s1;
	s26 =	smul.u32 $0x2800, s23  }
0xc: {  	s7 =	smul.u32 $0xA000, s7;
	p0 =	sgt.u32 s23, $0x7C;
	s20 =	sshrl.u32 s1, $0x1  }
0xd: {  	s6 =	smul.u32 $0x138800, s0;
	s1 =	ssub.s32 s1, s20;
	s8 =	sadd.s32 s4, s8  }
0xe: {  	s10 =	sadd.s32 s4, s10;
	s12 =	sadd.s32 s4, s12;
	s14 =	sadd.s32 s4, s14  }
0xf: {  	s16 =	sadd.s32 s4, s16;
	s19 =	sadd.s32 s4, s19;
	s21 =	sadd.s32 s4, s21  }
0x10: {  	s20 =	sadd.s32 s4, s26;
	s22 =	sadd.s32 s4, s22;
	s4 =	sadd.s32 $0x520400, s5  }
0x11: {  	s5 =	sadd.s32 $0x2E00, s5;
	s8 =	sshrl.u32 s8, $0x3;
	s6 =	sshrl.u32 s6, $0x3  }
0x12: {  	s28 =	sshrl.u32 s10, $0x3;
	s29 =	sshrl.u32 s12, $0x3;
	s30 =	sshrl.u32 s14, $0x3  }
0x13: {  	s12 =	sshrl.u32 s16, $0x3;
	s14 =	sshrl.u32 s19, $0x3;
	s16 =	sshrl.u32 s21, $0x3  }
0x14: {  	s20 =	sshrl.u32 s20, $0x3;
	s21 =	sadd.s32 $0x3C00, s22;
	s22 =	sadd.s32 $0x5000, s22  }
0x15: {  	s8 =	sadd.s32 s5, s8;
	s10 =	sadd.s32 s5, s30;
	s19 =	sadd.s32 s5, s16  }
0x16: {  	s25 =	sshrl.u32 s22, $0x3;
	s16 =	sshll.u32 s0, $0xF;
	s30 =	smul.u32 $0xA000, s9  }
0x17: {  	s0 =	sshll.u32 s0, $0xC;
	s9 =	smul.u32 $0xA000, s13;
	[dreg:$0x3] =	wrdreg s8  }
0x18: {  	s13 =	smul.u32 $0xA000, s18;
	s8 =	sadd.s32 s5, s28;
	[dreg:$0x6] =	wrdreg s10  }
0x19: {  	[dreg:$0x9] =	wrdreg s19;
	s10 =	sadd.s32 s15, s6;
	s26 =	sadd.s32 s25, s15  }
0x1a: {  	s28 =	smul.u32 $0xA000, s24;
	s6 =	sshrl.u32 s7, $0x2;
	[dreg:$0x4] =	wrdreg s8  }
0x1b: {  	s7 =	smul.u32 $0xA000, s11;
	s8 =	sadd.s32 s5, s29;
	[dreg:$0xc] =	wrdreg s26  }
0x1c: {  	s29 =	smax.u32 s1, $0x1;
	s1 =	sshrl.u32 s9, $0x2;
	s31 =	smov.u32 s10  }
0x1d: {  	s9 =	simm.s32 $0x1500;
	[dreg:$0x5] =	wrdreg s8;
	s8 =	sadd.s32 s5, s12  }
0x1e: {  	[dreg:$0xe] =	wrdreg s29;
	s11 =	sshrl.u32 s7, $0x2;
	s12 =	smul.u32 $0xA000, s17  }
0x1f: {  	s7 =	simm.s32 $0x3;
	[dreg:$0x7] =	wrdreg s8;
	s8 =	sadd.s32 s5, s14  }
0x20: {  	s5 =	sadd.s32 s5, s20;
	s20 =	sadd.s32 s6, s2;
	s22 =	sadd.s32 s11, s2  }
0x21: {  	s14 =	smul.u32 $0xA000, s23;
	s23 =	sadd.s32 s1, s2;
	s1 =	simm.s32 $0x2900  }
0x22: {  	s6 =	simm.s32 $0x1;
	s11 =	simm.s32 $0x2;
	[dreg:$0x8] =	wrdreg s8  }
0x23: {  	[dreg:$0xa] =	wrdreg s5;
	s5 =	sshrl.u32 s21, $0x3;
	s8 =	sadd.s32 s4, s0  }
0x24: {  	s0 =	sshrl.u32 s30, $0x2;
	s30 =	sadd.s32 $0x500, s10;
	s5 =	sadd.s32 s5, s15  }
0x25: {  	s21 =	sadd.s32 s0, s2;
	s15 =	sshrl.u32 s12, $0x2;
	s0 =	sshrl.u32 s13, $0x2  }
0x26: {  	s17 =	sshrl.u32 s14, $0x2;
	s18 =	sadd.s32 $0x10, s8;
	[dreg:$0xd] =	wrdreg s8  }
0x27: {  	s29 =	sadd.s32 $0x20, s8;
	[dreg:$0x12] =	wrdreg s30;
	s8 =	simm.s32 $0x80  }
0x28: {  	s12 =	simm.s32 $0x4;
	s14 =	simm.s32 $0x5;
	[dreg:$0xb] =	wrdreg s5  }
.Ltmp0:
0x29: {  	s5 =	sshrl.u32 s28, $0x2;
	s24 =	sadd.s32 s15, s2;
	(pc) =	sbr.rel .LBB2_1-.Ltmp0, $4  }
0x2a: {  	s25 =	sadd.s32 s0, s2;
	s26 =	sadd.s32 s17, s2;
	[dreg:$0xf] =	wrdreg s18  }
0x2b: {  	s28 =	sadd.s32 $0x280, s10;
	[dreg:$0x11] =	wrdreg s29;
	s0 =	simm.s32 $0x7  }
0x2c: {  	s10 =	simm.s32 $0x28;
	s15 =	simm.s32 $0x6;
	s18 =	simm.s32 $0x0  }
0x2d: {  	v0 =	vimm.f32 $0.0e+00;
	s19 =	sadd.s32 s5, s2;
	[dreg:$0x10] =	wrdreg s28;
	s5 =	simm.s32 $0x100  }
.LBB2_5:
0x2e: {  	[spmem:s2] =	stream.indirect.scatter.add.f32 [tilespmem:s9], [sflag:$0x6], $0x80, s8, s10, $0xb8;
	[tilespmem:$0x18980] =	vst v63  }
.LBB2_7:
0x2f: {  	_ =	swait.ge [sflag:s15], $0x1400  }
0x30: {  	[sflag:s15] =	ssyncset.done $0x0  }
0x31: {  	s13 =	stileid.u32;
	[sflag:s15] =	ssyncadd.s32 $0xFFFFEC00  }
0x32: {  	s13 =	sshll.u32 s13, $0x6;
	[bflag:$0x0] =	sbarrier.arrive $0xFFFF  }
0x33: {  	s17 =	sshrl.u32 s19, $0x3;
	s13 =	sor.u32 $0x1C07, s13;
	s28 =	rddreg [dreg:$0x3]  }
0x34: {  	[hbm:s28], [sflag:s13] =	dma.local [spmem:s17], $0x500  }
0x35: {  	_ =	swait.ge [sflag:s0], $0x500  }
0x36: {  	[sflag:s0] =	ssyncset.done $0x0  }
0x37: {  	s30 =	sshrl.u32 s20, $0x3;
	s29 =	rddreg [dreg:$0x4];
	[sflag:s0] =	ssyncadd.s32 $0xFFFFFB00  }
0x38: {  	[hbm:s29], [sflag:s13] =	dma.local [spmem:s30], $0x500  }
0x39: {  	_ =	swait.ge [sflag:s0], $0x500  }
0x3a: {  	[sflag:s0] =	ssyncset.done $0x0  }
0x3b: {  	s30 =	sshrl.u32 s21, $0x3;
	s29 =	rddreg [dreg:$0x5];
	[sflag:s0] =	ssyncadd.s32 $0xFFFFFB00  }
0x3c: {  	[hbm:s29], [sflag:s13] =	dma.local [spmem:s30], $0x500  }
0x3d: {  	_ =	swait.ge [sflag:s0], $0x500  }
0x3e: {  	[sflag:s0] =	ssyncset.done $0x0  }
0x3f: {  	s30 =	sshrl.u32 s22, $0x3;
	s29 =	rddreg [dreg:$0x6];
	[sflag:s0] =	ssyncadd.s32 $0xFFFFFB00  }
0x40: {  	[hbm:s29], [sflag:s13] =	dma.local [spmem:s30], $0x500  }
0x41: {  	_ =	swait.ge [sflag:s0], $0x500  }
0x42: {  	[sflag:s0] =	ssyncset.done $0x0  }
0x43: {  	s30 =	sshrl.u32 s23, $0x3;
	s29 =	rddreg [dreg:$0x7];
	[sflag:s0] =	ssyncadd.s32 $0xFFFFFB00  }
0x44: {  	[hbm:s29], [sflag:s13] =	dma.local [spmem:s30], $0x500  }
0x45: {  	_ =	swait.ge [sflag:s0], $0x500  }
0x46: {  	[sflag:s0] =	ssyncset.done $0x0  }
0x47: {  	s30 =	sshrl.u32 s24, $0x3;
	s29 =	rddreg [dreg:$0x8];
	[sflag:s0] =	ssyncadd.s32 $0xFFFFFB00  }
0x48: {  	[hbm:s29], [sflag:s13] =	dma.local [spmem:s30], $0x500  }
0x49: {  	_ =	swait.ge [sflag:s0], $0x500  }
0x4a: {  	[sflag:s0] =	ssyncset.done $0x0  }
0x4b: {  	s30 =	sshrl.u32 s25, $0x3;
	s29 =	rddreg [dreg:$0x9];
	[sflag:s0] =	ssyncadd.s32 $0xFFFFFB00  }
0x4c: {  	[hbm:s29], [sflag:s13] =	dma.local [spmem:s30], $0x500  }
0x4d: {  	_ =	swait.ge [sflag:s0], $0x500  }
0x4e: {  	[sflag:s0] =	ssyncset.done $0x0  }
0x4f: {  	s17 =	sshrl.u32 @!p0 s26, $0x3;
	s28 =	rddreg [dreg:$0xa];
	[sflag:s0] =	ssyncadd.s32 $0xFFFFFB00  }
0x50: {  	[hbm:s28], [sflag:s13] =	dma.local @!p0 [spmem:s17], $0x500  }
0x51: {  	s13 =	simm.s32 @!p0 $0x7  }
0x52: {  	_ =	swait.ge @!p0 [sflag:s13], $0x500  }
0x53: {  	s18 =	sadd.s32 $0x1, s18;
	s30 =	rddreg [dreg:$0xe]  }
0x54: {  	p1 =	sne.s32 s18, s30  }
.Ltmp1:
0x55: {  	_ = 	snop;
	(pc) =	sbr.rel @!p1 .LBB2_8-.Ltmp1, $3  }
0x56: {  	_ =	sdelay $0x1  }
0x57: {  	[sflag:s13] =	ssyncset.done @!p0 $0x0  }
0x58: {  	[sflag:s13] =	ssyncadd.s32 @!p0 $0xFFFFFB00  }
.LBB2_1:
0x59: {  	s13 =	simm.s32 $0x70;
	s17 =	simm.s32 $0x3C0  }
.LBB2_2:
0x5a: {  	p1 =	sne.s32 s17, $0x9FC0;
	[tilespmem:s13+$0x2900] =	vst v0  }
0x5b: {  	[tilespmem:s13+$0x2890] =	vst v0  }
0x5c: {  	[tilespmem:s13+$0x28A0] =	vst v0  }
.Ltmp2:
0x5d: {  	[tilespmem:s13+$0x28B0] =	vst v0;
	(pc) =	sbr.rel @p1 .LBB2_2-.Ltmp2, $4  }
0x5e: {  	[tilespmem:s13+$0x28C0] =	vst v0  }
0x5f: {  	[tilespmem:s13+$0x28D0] =	vst v0  }
0x60: {  	[tilespmem:s13+$0x28E0] =	vst v0  }
0x61: {  	[tilespmem:s13+$0x28F0] =	vst v0;
	s13 =	sshra.s32 s17, $0x2;
	s17 =	sadd.s32 $0x200, s17  }
0x62: {  	[tilespmem:s13+$0x2900] =	vst v0  }
0x63: {  	[tilespmem:s13+$0x2890] =	vst v0  }
0x64: {  	[tilespmem:s13+$0x28A0] =	vst v0  }
0x65: {  	[tilespmem:s13+$0x28B0] =	vst v0  }
0x66: {  	[tilespmem:s13+$0x28C0] =	vst v0  }
0x67: {  	[tilespmem:s13+$0x28D0] =	vst v0  }
0x68: {  	[tilespmem:s13+$0x28E0] =	vst v0  }
0x69: {  	[tilespmem:s13+$0x28F0] =	vst v0  }
0x6a: {  	[spmem:s19] =	stream.linear.scatter [tilespmem:s1], [sflag:$0x7], $0x2800, $0x38;
	[tilespmem:$0x18980] =	vst v63  }
0x6b: {  	_ =	swait.ge [sflag:s0], $0x2800  }
0x6c: {  	[sflag:s0] =	ssyncset.done $0x0  }
0x6d: {  	[sflag:s0] =	ssyncadd.s32 $0xFFFFD800  }
0x6e: {  	[spmem:s20] =	stream.linear.scatter [tilespmem:s1], [sflag:$0x7], $0x2800, $0x38;
	[tilespmem:$0x18980] =	vst v63  }
0x6f: {  	_ =	swait.ge [sflag:s0], $0x2800  }
0x70: {  	[sflag:s0] =	ssyncset.done $0x0  }
0x71: {  	[sflag:s0] =	ssyncadd.s32 $0xFFFFD800  }
0x72: {  	[spmem:s21] =	stream.linear.scatter [tilespmem:s1], [sflag:$0x7], $0x2800, $0x38;
	[tilespmem:$0x18980] =	vst v63  }
0x73: {  	_ =	swait.ge [sflag:s0], $0x2800  }
0x74: {  	[sflag:s0] =	ssyncset.done $0x0  }
0x75: {  	[sflag:s0] =	ssyncadd.s32 $0xFFFFD800  }
0x76: {  	[spmem:s22] =	stream.linear.scatter [tilespmem:s1], [sflag:$0x7], $0x2800, $0x38;
	[tilespmem:$0x18980] =	vst v63  }
0x77: {  	_ =	swait.ge [sflag:s0], $0x2800  }
0x78: {  	[sflag:s0] =	ssyncset.done $0x0  }
0x79: {  	[sflag:s0] =	ssyncadd.s32 $0xFFFFD800  }
0x7a: {  	[spmem:s23] =	stream.linear.scatter [tilespmem:s1], [sflag:$0x7], $0x2800, $0x38;
	[tilespmem:$0x18980] =	vst v63  }
0x7b: {  	_ =	swait.ge [sflag:s0], $0x2800  }
0x7c: {  	[sflag:s0] =	ssyncset.done $0x0  }
0x7d: {  	[sflag:s0] =	ssyncadd.s32 $0xFFFFD800  }
0x7e: {  	[spmem:s24] =	stream.linear.scatter [tilespmem:s1], [sflag:$0x7], $0x2800, $0x38;
	[tilespmem:$0x18980] =	vst v63  }
0x7f: {  	_ =	swait.ge [sflag:s0], $0x2800  }
0x80: {  	[sflag:s0] =	ssyncset.done $0x0  }
0x81: {  	[sflag:s0] =	ssyncadd.s32 $0xFFFFD800  }
0x82: {  	[spmem:s25] =	stream.linear.scatter [tilespmem:s1], [sflag:$0x7], $0x2800, $0x38;
	[tilespmem:$0x18980] =	vst v63  }
0x83: {  	_ =	swait.ge [sflag:s0], $0x2800  }
0x84: {  	[sflag:s0] =	ssyncset.done $0x0  }
0x85: {  	s13 =	simm.s32 @!p0 $0x2900;
	[sflag:s0] =	ssyncadd.s32 $0xFFFFD800  }
0x86: {  	[spmem:s26] =	stream.linear.scatter @!p0 [tilespmem:s13], [sflag:$0x7], $0x2800, $0x38;
	[tilespmem:$0x18980] =	vst v63  }
0x87: {  	s13 =	simm.s32 @!p0 $0x7  }
0x88: {  	_ =	swait.ge @!p0 [sflag:s13], $0x2800  }
0x89: {  	[sflag:s13] =	ssyncset.done @!p0 $0x0  }
0x8a: {  	[sflag:s13] =	ssyncadd.s32 @!p0 $0xFFFFD800  }
0x8b: {  	[bflag:$0x0] =	sbarrier.arrive $0xFFFF  }
0x8c: {  	s29 =	rddreg [dreg:$0xd]  }
0x8d: {  	[tilespmem:s3], [sflag:$0x1] =	stream.linear.gather [hbm4b:s29+s3], $0x80, $0x38;
	[tilespmem:$0x18980] =	vst v63  }
0x8e: {  	_ = 	snop  }
0x8f: {  	[tilespmem:s5], [sflag:$0x3] =	stream.linear.gather [hbm4b:s31+s3], $0x1400, $0x38;
	[tilespmem:$0x18980] =	vst v63  }
0x90: {  	_ =	swait.ge [sflag:s6], $0x80  }
0x91: {  	[sflag:s6] =	ssyncset.done $0x0  }
0x92: {  	[sflag:s6] =	ssyncadd.s32 $0xFFFFFF80  }
0x93: {  	_ =	swait.ge [sflag:s7], $0x1400  }
0x94: {  	[sflag:s7] =	ssyncset.done $0x0  }
0x95: {  	s30 =	rddreg [dreg:$0xf];
	[sflag:s7] =	ssyncadd.s32 $0xFFFFEC00  }
0x96: {  	[tilespmem:s8], [sflag:$0x2] =	stream.linear.gather [hbm4b:s30+s3], $0x80, $0x38;
	[tilespmem:$0x18980] =	vst v63  }
0x97: {  	s17 =	rddreg [dreg:$0x10]  }
0x98: {  	[tilespmem:s9], [sflag:$0x4] =	stream.linear.gather [hbm4b:s17+s3], $0x1400, $0x38;
	[tilespmem:$0x18980] =	vst v63  }
0x99: {  	_ = 	snop  }
0x9a: {  	[spmem:s2] =	stream.indirect.scatter.add.f32 [tilespmem:s5], [sflag:$0x5], $0x80, s3, s10, $0xb8;
	[tilespmem:$0x18980] =	vst v63  }
0x9b: {  	_ =	swait.ge [sflag:s11], $0x80  }
0x9c: {  	[sflag:s11] =	ssyncset.done $0x0  }
0x9d: {  	[sflag:s11] =	ssyncadd.s32 $0xFFFFFF80  }
0x9e: {  	_ =	swait.ge [sflag:s12], $0x1400  }
0x9f: {  	[sflag:s12] =	ssyncset.done $0x0  }
0xa0: {  	[sflag:s12] =	ssyncadd.s32 $0xFFFFEC00  }
0xa1: {  	_ =	swait.ge [sflag:s14], $0x1400  }
0xa2: {  	[sflag:s14] =	ssyncset.done $0x0;
	s29 =	rddreg [dreg:$0x11]  }
0xa3: {  	s30 =	rddreg [dreg:$0x12];
	[sflag:s14] =	ssyncadd.s32 $0xFFFFEC00  }
0xa4: {  	[tilespmem:s3], [sflag:$0x1] =	stream.linear.gather [hbm4b:s29+s3], $0x80, $0x38;
	[tilespmem:$0x18980] =	vst v63  }
0xa5: {  	s17 =	rddreg [dreg:$0xc]  }
0xa6: {  	[tilespmem:s5], [sflag:$0x3] =	stream.linear.gather [hbm4b:s30+s3], $0x1400, $0x38;
	[tilespmem:$0x18980] =	vst v63  }
0xa7: {  	s13 =	simm.s32 $0x200;
	s28 =	rddreg [dreg:$0xb]  }
0xa8: {  	[spmem:s2] =	stream.indirect.scatter.add.f32 [tilespmem:s9], [sflag:$0x6], $0x80, s8, s10, $0xb8;
	[tilespmem:$0x18980] =	vst v63  }
.LBB2_4:
0xa9: {  	_ =	swait.ge [sflag:s6], $0x80  }
0xaa: {  	[sflag:s6] =	ssyncset.done $0x0  }
0xab: {  	[sflag:s6] =	ssyncadd.s32 $0xFFFFFF80  }
0xac: {  	s29 =	sadd.s32 $0xFFFFFF80, s13;
	s30 =	sadd.s32 $0xFFFFFF00, s13;
	_ =	swait.ge [sflag:s7], $0x1400  }
0xad: {  	s29 =	sand.u32 $0x380, s29;
	s30 =	sand.u32 $0x7C00, s30;
	[sflag:s7] =	ssyncset.done $0x0  }
0xae: {  	s29 =	sor.u32 s29, s30;
	[sflag:s7] =	ssyncadd.s32 $0xFFFFEC00  }
0xaf: {  	s29 =	sor.u32 s16, s29;
	_ =	swait.ge [sflag:s15], $0x1400  }
0xb0: {  	s29 =	sshrl.u32 s29, $0x3;
	[sflag:s15] =	ssyncset.done $0x0  }
0xb1: {  	s29 =	sadd.s32 s4, s29;
	[sflag:s15] =	ssyncadd.s32 $0xFFFFEC00  }
0xb2: {  	[tilespmem:s8], [sflag:$0x2] =	stream.linear.gather [hbm4b:s29+s3], $0x80, $0x38;
	[tilespmem:$0x18980] =	vst v63  }
0xb3: {  	_ = 	snop  }
0xb4: {  	[tilespmem:s9], [sflag:$0x4] =	stream.linear.gather [hbm4b:s28+s3], $0x1400, $0x38;
	[tilespmem:$0x18980] =	vst v63  }
0xb5: {  	_ = 	snop  }
0xb6: {  	[spmem:s2] =	stream.indirect.scatter.add.f32 [tilespmem:s5], [sflag:$0x5], $0x80, s3, s10, $0xb8;
	[tilespmem:$0x18980] =	vst v63  }
0xb7: {  	_ =	swait.ge [sflag:s11], $0x80  }
0xb8: {  	[sflag:s11] =	ssyncset.done $0x0  }
0xb9: {  	[sflag:s11] =	ssyncadd.s32 $0xFFFFFF80  }
0xba: {  	p1 =	sne.s32 s13, $0x7D00;
	_ =	swait.ge [sflag:s12], $0x1400  }
.Ltmp3:
0xbb: {  	[sflag:s12] =	ssyncset.done $0x0;
	(pc) =	sbr.rel @!p1 .LBB2_5-.Ltmp3, $4  }
0xbc: {  	[sflag:s12] =	ssyncadd.s32 $0xFFFFEC00  }
0xbd: {  	_ =	swait.ge [sflag:s14], $0x1400  }
0xbe: {  	[sflag:s14] =	ssyncset.done $0x0  }
0xbf: {  	[sflag:s14] =	ssyncadd.s32 $0xFFFFEC00  }
0xc0: {  	s29 =	sand.u32 $0xFC00, s13  }
0xc1: {  	s30 =	sand.u32 $0x300, s13;
	s29 =	sadd.s32 s16, s29  }
0xc2: {  	s29 =	sor.u32 s30, s29  }
0xc3: {  	s13 =	sadd.s32 $0x100, s13;
	s29 =	sshrl.u32 s29, $0x3  }
0xc4: {  	p1 =	sne.s32 s13, $0x7E00;
	s29 =	sadd.s32 s4, s29  }
0xc5: {  	[tilespmem:s3], [sflag:$0x1] =	stream.linear.gather [hbm4b:s29+s3], $0x80, $0x38;
	[tilespmem:$0x18980] =	vst v63  }
.Ltmp4:
0xc6: {  	_ = 	snop;
	(pc) =	sbr.rel @p1 .LBB2_4-.Ltmp4, $4  }
.Ltmp5:
0xc7: {  	_ = 	snop;
	(pc) =	sbr.rel @!p1 .LBB2_7-.Ltmp5, $4  }
0xc8: {  	[tilespmem:s5], [sflag:$0x3] =	stream.linear.gather [hbm4b:s17+s3], $0x1400, $0x38;
	[tilespmem:$0x18980] =	vst v63  }
0xc9: {  	s28 =	sadd.s32 $0x500, s28;
	s17 =	sadd.s32 $0x500, s17  }
0xca: {  	[spmem:s2] =	stream.indirect.scatter.add.f32 [tilespmem:s9], [sflag:$0x6], $0x80, s8, s10, $0xb8;
	[tilespmem:$0x18980] =	vst v63  }
0xcb: {  	_ = 	snop  }
.LBB2_8:
0xcc: {  	_ =	sfence.sel $0x180000  }
0xcd: {  	[bflag:$0x0] =	sbarrier.arrive $0xFFFF  }
0xce: {  	_ =	strace $0x9000004D  }
0xcf: {  	s0 =	stileid.u32;
	[bflag:$0x2] =	sbarrier.arrive $0xFFFF  }
0xd0: {  	p0 =	sne.s32 s0, $0x0;
	s0 =	rddreg [dreg:$0x2]  }
0xd1: {  	s0 =	sadd.s32 @!p0 $0x100000, s0  }
0xd2: {  	[sflag:s0] =	ssyncadd.tile.s32 @!p0 $0x1;
	_ =	shalt  }
.Lfunc_end2:
_tile_overlayer_lowered:
.L_overlay_start_2:
0xd3: {  	(tag) =	ssettag $0x2  }
0xd4: {  	s0 =	rddreg [dreg:$0x0];
	s2 =	stileid.u32  }
0xd5: {  	s1 =	rddreg [dreg:$0x1];
	p0 =	sne.s32 s2, $0x0  }
0xd6: {  	s3 =	rddreg [dreg:$0x2];
	[bflag:$0x3] =	sbarrier.arrive $0xFFFF;
	s2 =	simm.s32 @!p0 $0x1C07  }
0xd7: {  	[timem:s3], [sflag:s2] =	dma.local @!p0 [hbm:s0], s1  }
0xd8: {  	s0 =	simm.s32 @!p0 $0x7  }
0xd9: {  	_ =	swait.ge @!p0 [sflag:s0], s1  }
0xda: {  	s1 =	ssub.s32 @!p0 $0x0, s1;
	[sflag:s0] =	ssyncset.done @!p0 $0x0  }
0xdb: {  	[sflag:s0] =	ssyncadd.s32 @!p0 s1  }
0xdc: {  	[bflag:$0x3] =	sbarrier.arrive $0xFFFF  }
0xdd: {  	_ =	shalt  }

// kernel: kernel.8.cloned.1.call-start
scs
__scs_entry_jumppad:
0x0: {  	(pc) =	sbr.rel $0x88, $3  }
0x1: {  	(tag) =	ssettag $0x0;
	lr =	simm.s32 $0x1  }
0x2: {  	[smem:$0x3F9A] =	sst lr;
	_ =	strace $0xD0000000  }
0x3: {  	_ = 	snop  }
0x4: {  	_ = 	snop  }
0x5: {  	_ = 	snop  }
0x6: {  	_ = 	snop  }
0x7: {  	_ = 	snop  }
__scs_overlays_trampoline_lowered:
0x8: {  	[smem:$0x3FA9] =	sst s0  }
0x9: {  	[smem:$0x3FAA] =	sst s1  }
0xa: {  	[smem:$0x3FAB] =	sst s2  }
0xb: {  	[smem:$0x3FAC] =	sst s3  }
0xc: {  	[smem:$0x3FAD] =	sst s4  }
0xd: {  	[smem:$0x3FAE] =	sst s5  }
0xe: {  	[smem:$0x3FAF] =	sst s6  }
0xf: {  	[smem:$0x3FB0] =	sst s7  }
0x10: {  	[smem:$0x3FB1] =	sst s8  }
0x11: {  	[smem:$0x3FB2] =	sst s9;
	s0 =	simm.s32 @!p0 $0x0  }
0x12: {  	s1 =	sld [smem:$0x3F98];
	s0 =	simm.s32 @p0 $0x1  }
0x13: {  	[smem:$0x3FB3] =	sst s0;
	s0 =	simm.s32 @!p1 $0x0  }
0x14: {  	s2 =	sld [smem:$0x3F97];
	s0 =	simm.s32 @p1 $0x1  }
0x15: {  	[smem:$0x3FB4] =	sst s0;
	s0 =	simm.s32 @!p2 $0x0  }
0x16: {  	s3 =	sld [smem:$0x3FDB];
	s0 =	simm.s32 @p2 $0x1  }
0x17: {  	s4 =	simm.s32 $0x1BF5;
	[smem:$0x3FB6] =	sst s0  }
0x18: {  	s0 =	sld [smem:$0x3F99];
	_ =	swait.ge [sflag:s4], $0x0  }
0x19: {  	s7 =	sld [smem:$0x3F9A]  }
0x1a: {  	s8 =	sadd.s32 $0xFFFFE003, lr  }
0x1b: {  	s9 =	sadd.s32 $0xFFFFFEF7, lr;
	s5 =	simm.s32 $0xFFFFFFFF;
	p2 =	slt.u32 s8, $0xFFFFF086  }
0x1c: {  	p1 =	slt.u32 s9, $0xF7A;
	s5 =	simm.s32 @!p2 $0x0  }
0x1d: {  	s5 =	simm.s32 @p1 $0x1;
	p0 =	seq.s32 s7, s2  }
0x1e: {  	s7 =	smul.u32 @!p0 $0xF7A, s2;
	p2 =	seq.s32 @!p0 s5, $0x0  }
0x1f: {  	s9 =	smul.u32 $0xF7A, s1;
	s8 =	simm.s32 @!p0 $0x1BF5;
	p2 =	por !p2, p0  }
0x20: {  	[sflag:s8] =	ssyncset.s32 @!p0 $0xFFFFF086;
	s6 =	sadd.s32 @!p0 s3, s7;
	s7 =	simm.s32 @!p0 $0x108  }
0x21: {  	s3 =	sadd.s32 s3, s9;
	s6 =	sadd.s32 @!p0 $0x88, s6;
	s7 =	simm.s32 @p2 $0x1082  }
0x22: {  	[simem:s7], [sflag:s8] =	dma.local @!p0 [hbm:s6], $0xF7A  }
0x23: {  	s9 =	sor.u32 $0xD0000000, s2;
	s6 =	simm.s32 $0x108;
	_ =	swait.ge @!p0 [sflag:s8], $0x0  }
0x24: {  	s3 =	sadd.s32 $0x88, s3;
	s6 =	simm.s32 @!p1 $0x1082;
	[sflag:s4] =	ssyncset.s32 $0xFFFFF086  }
0x25: {  	[simem:s6], [sflag:s4] =	dma.local [hbm:s3], $0xF7A  }
0x26: {  	[smem:$0x3F9A] =	sst s1;
	(tag) =	ssettag s2;
	_ =	strace s9  }
0x27: {  	s1 =	sld [smem:$0x3FAA]  }
0x28: {  	s2 =	sld [smem:$0x3FAB]  }
0x29: {  	s4 =	sld [smem:$0x3FAD]  }
0x2a: {  	p0 =	seq.s32 s5, $0x0;
	s5 =	sld [smem:$0x3FAE]  }
0x2b: {  	s6 =	sld [smem:$0x3FAF]  }
0x2c: {  	s7 =	sld [smem:$0x3FB0]  }
0x2d: {  	s3 =	simm.s32 $0x108;
	s8 =	sld [smem:$0x3FB1]  }
0x2e: {  	s3 =	simm.s32 @!p0 $0x1082;
	s9 =	sld [smem:$0x3FB2]  }
0x2f: {  	lr =	sadd.s32 s0, s3;
	s0 =	sld [smem:$0x3FA9]  }
0x30: {  	s3 =	sld [smem:$0x3FAC]  }
0x31: {  	[smem:$0x3FB5] =	sst s10  }
0x32: {  	s10 =	sld [smem:$0x3FB3];
	_ =	sdelay $0x3  }
0x33: {  	p0 =	seq.s32 s10, $0x1;
	s10 =	sld [smem:$0x3FB5];
	_ =	sdelay $0x3  }
0x34: {  	[smem:$0x3FB5] =	sst s10  }
0x35: {  	s10 =	sld [smem:$0x3FB4];
	_ =	sdelay $0x3  }
0x36: {  	p1 =	seq.s32 s10, $0x1;
	s10 =	sld [smem:$0x3FB5];
	_ =	sdelay $0x3  }
0x37: {  	[smem:$0x3FB5] =	sst s10  }
0x38: {  	s10 =	sld [smem:$0x3FB6]  }
0x39: {  	_ = 	snop;
	(pc) =	sbr.ind lr, $3  }
0x3a: {  	_ = 	snop  }
0x3b: {  	_ = 	snop  }
0x3c: {  	p2 =	seq.s32 s10, $0x1;
	s10 =	sld [smem:$0x3FB5]  }
0x3d: {  	_ =	shalt  }
0x3e: {  	_ =	shalt  }
0x3f: {  	_ =	shalt  }
0x40: {  	_ =	shalt  }
0x41: {  	_ =	shalt  }
0x42: {  	_ =	shalt  }
0x43: {  	_ =	shalt  }
0x44: {  	_ =	shalt  }
0x45: {  	_ =	shalt  }
0x46: {  	_ =	shalt  }
0x47: {  	_ =	shalt  }
0x48: {  	_ =	shalt  }
0x49: {  	_ =	shalt  }
0x4a: {  	_ =	shalt  }
0x4b: {  	_ =	shalt  }
0x4c: {  	_ =	shalt  }
0x4d: {  	_ =	shalt  }
0x4e: {  	_ =	shalt  }
0x4f: {  	_ =	shalt  }
0x50: {  	_ =	shalt  }
0x51: {  	_ =	shalt  }
0x52: {  	_ =	shalt  }
0x53: {  	_ =	shalt  }
0x54: {  	_ =	shalt  }
0x55: {  	_ =	shalt  }
0x56: {  	_ =	shalt  }
0x57: {  	_ =	shalt  }
0x58: {  	_ =	shalt  }
0x59: {  	_ =	shalt  }
0x5a: {  	_ =	shalt  }
0x5b: {  	_ =	shalt  }
0x5c: {  	_ =	shalt  }
0x5d: {  	_ =	shalt  }
0x5e: {  	_ =	shalt  }
0x5f: {  	_ =	shalt  }
0x60: {  	_ =	shalt  }
0x61: {  	_ =	shalt  }
0x62: {  	_ =	shalt  }
0x63: {  	_ =	shalt  }
0x64: {  	_ =	shalt  }
0x65: {  	_ =	shalt  }
0x66: {  	_ =	shalt  }
0x67: {  	_ =	shalt  }
0x68: {  	_ =	shalt  }
0x69: {  	_ =	shalt  }
0x6a: {  	_ =	shalt  }
0x6b: {  	_ =	shalt  }
0x6c: {  	_ =	shalt  }
0x6d: {  	_ =	shalt  }
0x6e: {  	_ =	shalt  }
0x6f: {  	_ =	shalt  }
0x70: {  	_ =	shalt  }
0x71: {  	_ =	shalt  }
0x72: {  	_ =	shalt  }
0x73: {  	_ =	shalt  }
0x74: {  	_ =	shalt  }
0x75: {  	_ =	shalt  }
0x76: {  	_ =	shalt  }
0x77: {  	_ =	shalt  }
0x78: {  	_ =	shalt  }
0x79: {  	_ =	shalt  }
0x7a: {  	_ =	shalt  }
0x7b: {  	_ =	shalt  }
0x7c: {  	_ =	shalt  }
0x7d: {  	_ =	shalt  }
0x7e: {  	_ =	shalt  }
0x7f: {  	_ =	shalt  }
0x80: {  	_ =	shalt  }
0x81: {  	_ =	shalt  }
0x82: {  	_ =	shalt  }
0x83: {  	_ =	shalt  }
0x84: {  	_ =	shalt  }
0x85: {  	_ =	shalt  }
0x86: {  	_ =	shalt  }
0x87: {  	_ =	shalt  }
.Lfunc_end0:
.L_simem_size_0:
called_computation_lowered:
.L_overlay_start_0:
0x88: {  	s2 =	sld [smem:$0x3FD9]  }
0x89: {  	s3 =	sld [smem:$0x3FFE];
	_ =	sdelay $0x1  }
0x8a: {  	s1 =	srdreg.scid  }
0x8b: {  	s0 =	sand.u32 $0x1, s1  }
0x8c: {  	s14 =	sshll.u32 s0, $0xA;
	s2 =	sadd.s32 s3, s2  }
0x8d: {  	s2 =	sadd.s32 s2, s14  }
0x8e: {  	[smem:$0x3FC1] =	sst s2  }
0x8f: {  	_ = 	snop  }
0x90: {  	s2 =	sld [smem:$0x3FD0];
	_ =	sdelay $0x2  }
0x91: {  	s15 =	simm.s32 $0xB;
	s4 =	simm.s32 $0x10  }
0x92: {  	[smem:s4], [sflag:s15] =	dma.local [hbm:s2], $0x1  }
0x93: {  	_ =	swait.eq [sflag:s15], $0x1  }
0x94: {  	[sflag:s15] =	ssyncset.done $0x0  }
0x95: {  	s16 =	sld [smem:$0x10];
	[sflag:s15] =	ssyncadd.s32 $0xFFFFFFFF  }
0x96: {  	s17 =	sld [smem:$0x11];
	(tm) =	ssettm $0x1  }
0x97: {  	s18 =	sld [smem:$0x3FFB];
	_ =	sdelay $0x3  }
0x98: {  	_ =	strace s18  }
0x99: {  	s4 =	sld [smem:$0x3FFC];
	_ =	sdelay $0x3  }
0x9a: {  	_ =	strace s4  }
0x9b: {  	s4 =	sld [smem:$0x3FFD];
	_ =	sdelay $0x3  }
0x9c: {  	_ =	strace s4  }
0x9d: {  	_ =	strace $0x8FFFFFFF  }
0x9e: {  	s19 =	sld [smem:$0x3FDB];
	_ =	sdelay $0x1  }
0x9f: {  	s5 =	simm.s32 $_scs_section_size  }
0xa0: {  	s6 =	simm.s32 $_size__tile_overlayer_lowered;
	s7 =	simm.s32 $_tile_overlayer_lowered  }
0xa1: {  	s22 =	simm.s32 $0x1BFF;
	s21 =	sshll.u32 s7, $0x1;
	s4 =	sadd.s32 s5, s19  }
0xa2: {  	s8 =	simm.s32 $0x0;
	s20 =	sshll.u32 s6, $0x1;
	s6 =	sadd.s32 s21, s4  }
0xa3: {  	[timem:s8], [sflag:s22] =	dma.local [hbm:s6], s20  }
0xa4: {  	_ =	swait.ge [sflag:s22], s20  }
0xa5: {  	s5 =	ssub.s32 $0x0, s20;
	[sflag:s22] =	ssyncset.done $0x0  }
0xa6: {  	[sflag:s22] =	ssyncadd.s32 s5;
	_ =	sdelay $0x1  }
0xa7: {  	s23 =	simm.s32 $0x1B8B  }
0xa8: {  	_ =	swait.ge [sflag:s23], $0x1  }
0xa9: {  	[sflag:s23] =	ssyncset.done $0x0  }
0xaa: {  	s25 =	simm.s32 $0x1B8E;
	s24 =	sld [smem:$0x3FFE];
	[sflag:s23] =	ssyncadd.s32 $0xFFFFFFFF  }
0xab: {  	s26 =	simm.s32 $execute0_lowered;
	[smem:$0x3FD2] =	sst s25  }
0xac: {  	s6 =	sshll.u32 s26, $0x1;
	_ =	strace $0x80000046;
	[dreg:$0x1] =	wrdreg $0xFFFFFFFF  }
0xad: {  	s28 =	simm.s32 $_size_execute0_lowered;
	s4 =	sadd.s32 s4, s6;
	[dreg:$0x0] =	wrdreg $0x0  }
0xae: {  	s6 =	sshll.u32 s28, $0x1;
	[dreg:$0x2] =	wrdreg s4  }
0xaf: {  	[dreg:$0x3] =	wrdreg s6  }
0xb0: {  	[dreg:$0x4] =	wrdreg $0xC0  }
0xb1: {  	_ =	task [dreg:s8], $0x5FFFF  }
0xb2: {  	[dreg:$0x1] =	wrdreg $0xFFFFFFFF  }
0xb3: {  	[dreg:$0x0] =	wrdreg $0x60  }
0xb4: {  	[dreg:$0x2] =	wrdreg s16  }
0xb5: {  	[dreg:$0x3] =	wrdreg s24  }
0xb6: {  	[dreg:$0x4] =	wrdreg s17  }
0xb7: {  	[dreg:$0x5] =	wrdreg $0xA  }
0xb8: {  	_ =	task.clear_ibuf [dreg:s8], $0x6FFFF;
	_ =	strace $0x90000046  }
0xb9: {  	s29 =	simm.s32 $0xA;
	_ =	strace $0x80000048  }
0xba: {  	_ =	swait.ge [sflag:s29], $0x1  }
0xbb: {  	[sflag:s29] =	ssyncadd.s32 $0xFFFFFFFF  }
0xbc: {  	_ =	strace $0x90000048  }
0xbd: {  	_ =	sfence  }
0xbe: {  	s30 =	sld [smem:$0x0];
	_ =	sdelay $0x2  }
0xbf: {  	s31 =	sshll.u32 s1, $0xD;
	s1 =	sshrl.u32 s1, $0x2  }
0xc0: {  	s3 =	sand.u32 $0x4000, s31;
	s1 =	sadd.s32 s1, s30  }
0xc1: {  	s0 =	sor.u32 s3, s0;
	s1 =	sshll.u32 s1, $0x11  }
0xc2: {  	s0 =	sor.u32 s1, s0  }
0xc3: {  	s0 =	sadd.s32 $0x8F2B, s0  }
0xc4: {  	[sflag:s0] =	ssyncadd.remote.s32 $0x1  }
0xc5: {  	_ =	sfence.sel $0xFFFF  }
0xc6: {  	[dreg:$0x0] =	wrdreg $0xFFFFFFFF;
	(pc) =	sbr.abs _section_cstart, $3  }
0xc7: {  	[dreg:$0x1] =	wrdreg $0xFFFFFFFF  }
0xc8: {  	_ =	task.clear_ibuf [dreg:s8], $0x2FFFF;
	_ =	strace $0x9FFFFFFF  }
0xc9: {  	(tm) =	ssettm $0x7FFFFFFF  }
tec
execute0_lowered:
.L_overlay_start_1:
0x0: {  	(tag) =	ssettag $0x1  }
0x1: {  	s1 =	rddreg [dreg:$0x0]  }
0x2: {  	s5 =	rddreg [dreg:$0x1]  }
0x3: {  	s7 =	rddreg [dreg:$0x2];
	s3 =	simm.s32 $0x0  }
0x4: {  	s4 =	srdreg.scid;
	s2 =	stileid.u32;
	s11 =	simm.s32 $0x8000  }
0x5: {  	s12 =	simm.s32 $0x28;
	s13 =	simm.s32 $0x10000;
	s14 =	simm.s32 $0x12800  }
0x6: {  	s15 =	simm.s32 $0x1;
	s16 =	simm.s32 $0x3;
	s17 =	simm.s32 $0x11400  }
0x7: {  	s18 =	simm.s32 $0x13C00;
	s19 =	simm.s32 $0x15000;
	s20 =	simm.s32 $0x2  }
0x8: {  	s21 =	simm.s32 $0x4;
	s22 =	simm.s32 $0x16400;
	s23 =	simm.s32 $0x5  }
0x9: {  	s24 =	simm.s32 $0x6;
	s25 =	simm.s32 $0x0;
	[smem:$0x7FF] =	sst s3  }
0xa: {  	s6 =	sand.u32 $0x1, s4;
	s8 =	sshll.u32 s2, $0x1;
	s4 =	sadd.s32 $0x3600, s5  }
0xb: {  	s5 =	sadd.s32 $0x2A800, s5;
	s9 =	ssub.s32 $0x2, s6;
	s6 =	sor.u32 s6, s8  }
0xc: {  	_ =	strace $0x80000047;
	s31 =	sshrl.u32 s9, $0x1;
	s10 =	sshll.u32 s6, $0xC  }
0xd: {  	s6 =	smul.u32 $0x2710, s6;
	s9 =	ssub.s32 s9, s31;
	s7 =	sadd.s32 s7, s10  }
0xe: {  	s10 =	simm.s32 $0x7;
	s8 =	sadd.s32 $0x20000, s7;
	s9 =	smax.u32 s9, $0x1  }
.LBB2_1:
0xf: {  	[tilespmem:s3], [sflag:$0x7] =	stream.linear.gather [hbm4b:s7+s3], $0x7D00, $0x38;
	[tilespmem:$0x17800] =	vst v63  }
0x10: {  	_ =	swait.ge [sflag:s10], $0x7D00  }
0x11: {  	[sflag:s10] =	ssyncset.done $0x0  }
0x12: {  	[sflag:s10] =	ssyncadd.s32 $0xFFFF8300  }
0x13: {  	[tilespmem:s11], [sflag:$0x7] =	stream.linear.gather [hbm4b:s8+s3], $0x7D00, $0x38;
	[tilespmem:$0x17800] =	vst v63  }
0x14: {  	_ =	swait.ge [sflag:s10], $0x7D00  }
0x15: {  	[sflag:s10] =	ssyncset.done $0x0  }
0x16: {  	[sflag:s10] =	ssyncadd.s32 $0xFFFF8300  }
0x17: {  	[tilespmem:s13], [sflag:$0x1] =	stream.indirect.gather [hbm4b:s1+s12], $0x80, s3, s12, $0xb8;
	[tilespmem:$0x17800] =	vst v63  }
0x18: {  	s26 =	simm.s32 $0x0  }
0x19: {  	[tilespmem:s14], [sflag:$0x3] =	stream.indirect.gather [hbm4b:s4+s12], $0x80, s11, s12, $0xb8;
	[tilespmem:$0x17800] =	vst v63  }
.LBB2_2:
0x1a: {  	_ =	swait.ge [sflag:s15], $0x1400  }
0x1b: {  	[sflag:s15] =	ssyncset.done $0x0  }
0x1c: {  	[sflag:s15] =	ssyncadd.s32 $0xFFFFEC00  }
0x1d: {  	_ =	swait.ge [sflag:s16], $0x1400  }
0x1e: {  	s28 =	sshllo.u32 s26, $0x1;
	[sflag:s16] =	ssyncset.done $0x0  }
0x1f: {  	s29 =	sshll.u32 s28, $0x7;
	[sflag:s16] =	ssyncadd.s32 $0xFFFFEC00  }
0x20: {  	[tilespmem:s17], [sflag:$0x2] =	stream.indirect.gather [hbm4b:s1+s12], $0x80, s29, s12, $0xb8;
	[tilespmem:$0x17800] =	vst v63  }
0x21: {  	p0 =	seq.s32 s26, $0x0;
	s29 =	sadd.s32 $0x8000, s29  }
0x22: {  	[tilespmem:s18], [sflag:$0x4] =	stream.indirect.gather [hbm4b:s4+s12], $0x80, s29, s12, $0xb8;
	[tilespmem:$0x17800] =	vst v63  }
0x23: {  	s29 =	simm.s32 @!p0 $0x5  }
0x24: {  	_ =	swait.ge @!p0 [sflag:s29], $0x1400  }
0x25: {  	[sflag:s29] =	ssyncset.done @!p0 $0x0  }
0x26: {  	[sflag:s29] =	ssyncadd.s32 @!p0 $0xFFFFEC00;
	s29 =	simm.s32 $0x0  }
0x27: {  	v0 =	vld [tilespmem:s29+$0x10070]  }
0x28: {  	v1 =	vld [tilespmem:s29+$0x12870]  }
0x29: {  	v2 =	vld [tilespmem:s29+$0x10000]  }
0x2a: {  	v3 =	vld [tilespmem:s29+$0x12800]  }
0x2b: {  	v4 =	vld [tilespmem:s29+$0x10010]  }
0x2c: {  	v5 =	vld [tilespmem:s29+$0x12810]  }
0x2d: {  	v6 =	vld [tilespmem:s29+$0x10020]  }
0x2e: {  	v7 =	vld [tilespmem:s29+$0x10030]  }
0x2f: {  	v0 =	vadd.f32 v1, v0;
	v1 =	vld [tilespmem:s29+$0x12820]  }
0x30: {  	v8 =	vld [tilespmem:s29+$0x12830]  }
0x31: {  	v9 =	vld [tilespmem:s29+$0x12840];
	v2 =	vadd.f32 v3, v2  }
0x32: {  	[tilespmem:s29+$0x15070] =	vst v0;
	v0 =	vadd.f32 v5, v4;
	v5 =	vld [tilespmem:s29+$0x10040]  }
0x33: {  	v3 =	vld [tilespmem:s29+$0x12850];
	[tilespmem:s29+$0x15000] =	vst v2  }
0x34: {  	v2 =	vld [tilespmem:s29+$0x10050];
	[tilespmem:s29+$0x15010] =	vst v0;
	v0 =	vadd.f32 v1, v6  }
0x35: {  	v4 =	vld [tilespmem:s29+$0x12860];
	v6 =	vadd.f32 v8, v7  }
0x36: {  	s30 =	simm.s32 $0x80;
	[tilespmem:s29+$0x15020] =	vst v0;
	v0 =	vld [tilespmem:s29+$0x10060]  }
0x37: {  	s31 =	simm.s32 $0x400;
	v5 =	vadd.f32 v9, v5;
	v1 =	vld [tilespmem:s30+$0x10070];
	[tilespmem:s29+$0x15030] =	vst v6  }
.LBB2_3:
0x38: {  	p0 =	sne.s32 s31, $0x4E00;
	v6 =	vld [tilespmem:s30+$0x12870]  }
0x39: {  	v7 =	vld [tilespmem:s30+$0x10000];
	[tilespmem:s29+$0x15040] =	vst v5;
	v2 =	vadd.f32 v3, v2  }
0x3a: {  	v3 =	vld [tilespmem:s30+$0x12800]  }
0x3b: {  	v5 =	vld [tilespmem:s30+$0x10010];
	[tilespmem:s29+$0x15050] =	vst v2;
	v0 =	vadd.f32 v4, v0  }
0x3c: {  	v2 =	vld [tilespmem:s30+$0x12810]  }
0x3d: {  	v4 =	vld [tilespmem:s30+$0x10020];
	v1 =	vadd.f32 v6, v1;
	[tilespmem:s29+$0x15060] =	vst v0;
	s29 =	smov.u32 s30  }
0x3e: {  	v0 =	vld [tilespmem:s29+$0x12820]  }
0x3f: {  	v3 =	vadd.f32 v3, v7;
	v6 =	vld [tilespmem:s29+$0x10030];
	[tilespmem:s29+$0x15070] =	vst v1  }
0x40: {  	v1 =	vld [tilespmem:s29+$0x12830]  }
0x41: {  	[tilespmem:s29+$0x15000] =	vst v3;
	v2 =	vadd.f32 v2, v5;
	v5 =	vld [tilespmem:s29+$0x10040]  }
0x42: {  	v7 =	vld [tilespmem:s29+$0x12840]  }
.Ltmp0:
0x43: {  	[tilespmem:s29+$0x15010] =	vst v2;
	v0 =	vadd.f32 v0, v4;
	v2 =	vld [tilespmem:s29+$0x10050];
	(pc) =	sbr.rel @p0 .LBB2_3-.Ltmp0, $4  }
0x44: {  	v3 =	vld [tilespmem:s29+$0x12850]  }
0x45: {  	[tilespmem:s29+$0x15020] =	vst v0;
	v6 =	vadd.f32 v1, v6;
	v0 =	vld [tilespmem:s29+$0x10060]  }
0x46: {  	s30 =	sshra.s32 s31, $0x2;
	v4 =	vld [tilespmem:s29+$0x12860]  }
0x47: {  	s31 =	sadd.s32 $0x200, s31;
	v1 =	vld [tilespmem:s30+$0x10070];
	[tilespmem:s29+$0x15030] =	vst v6;
	v5 =	vadd.f32 v7, v5  }
0x48: {  	v6 =	vld [tilespmem:s30+$0x12870]  }
0x49: {  	v7 =	vld [tilespmem:s30+$0x10000];
	[tilespmem:s29+$0x15040] =	vst v5;
	v2 =	vadd.f32 v3, v2  }
0x4a: {  	v3 =	vld [tilespmem:s30+$0x12800]  }
0x4b: {  	v5 =	vld [tilespmem:s30+$0x10010];
	[tilespmem:s29+$0x15050] =	vst v2;
	v0 =	vadd.f32 v4, v0  }
0x4c: {  	v2 =	vld [tilespmem:s30+$0x12810]  }
0x4d: {  	v4 =	vld [tilespmem:s30+$0x10020];
	[tilespmem:s29+$0x15060] =	vst v0  }
0x4e: {  	v0 =	vadd.f32 v6, v1;
	v1 =	vld [tilespmem:s30+$0x12820]  }
0x4f: {  	v6 =	vld [tilespmem:s30+$0x10030]  }
0x50: {  	v3 =	vadd.f32 v3, v7;
	[tilespmem:s30+$0x15070] =	vst v0;
	v0 =	vld [tilespmem:s30+$0x12830]  }
0x51: {  	v7 =	vld [tilespmem:s30+$0x12860]  }
0x52: {  	[tilespmem:s30+$0x15000] =	vst v3;
	v2 =	vadd.f32 v2, v5;
	v3 =	vld [tilespmem:s30+$0x10040]  }
0x53: {  	v5 =	vld [tilespmem:s30+$0x12840]  }
0x54: {  	[tilespmem:s30+$0x15010] =	vst v2;
	v1 =	vadd.f32 v1, v4;
	v2 =	vld [tilespmem:s30+$0x10050]  }
0x55: {  	v4 =	vld [tilespmem:s30+$0x12850]  }
0x56: {  	[tilespmem:s30+$0x15020] =	vst v1;
	v1 =	vld [tilespmem:s30+$0x10060];
	_ =	sdelay $0x1  }
0x57: {  	v0 =	vadd.f32 v0, v6  }
0x58: {  	s29 =	smul.u32 $0x50, s26;
	v3 =	vadd.f32 v5, v3  }
0x59: {  	[tilespmem:s30+$0x15030] =	vst v0;
	v0 =	vadd.f32 v4, v2  }
0x5a: {  	s29 =	sadd.s32 s6, s29;
	[tilespmem:s30+$0x15040] =	vst v3;
	v1 =	vadd.f32 v7, v1  }
0x5b: {  	s29 =	sshll.u32 s29, $0x4;
	[tilespmem:s30+$0x15050] =	vst v0  }
0x5c: {  	s29 =	sadd.s32 s5, s29;
	[tilespmem:s30+$0x15060] =	vst v1  }
0x5d: {  	[hbm4b:s29+s3] =	stream.linear.scatter [tilespmem:s19], [sflag:$0x5], $0x1400, $0x38;
	[tilespmem:$0x17800] =	vst v63  }
0x5e: {  	_ =	swait.ge [sflag:s20], $0x1400  }
0x5f: {  	[sflag:s20] =	ssyncset.done $0x0  }
0x60: {  	[sflag:s20] =	ssyncadd.s32 $0xFFFFEC00  }
0x61: {  	p0 =	seq.s32 s26, $0x7C;
	_ =	swait.ge [sflag:s21], $0x1400  }
0x62: {  	s31 =	simm.s32 @!p0 $0x28;
	s29 =	sshll.u32 @!p0 s26, $0x8;
	[sflag:s21] =	ssyncset.done $0x0  }
0x63: {  	s0 =	simm.s32 @!p0 $0x10000;
	s30 =	sadd.s32 @!p0 $0x100, s29;
	[sflag:s21] =	ssyncadd.s32 $0xFFFFEC00  }
0x64: {  	[tilespmem:s0], [sflag:$0x1] =	stream.indirect.gather @!p0 [hbm4b:s1+s31], $0x80, s30, s31, $0xb8;
	[tilespmem:$0x17800] =	vst v63  }
0x65: {  	p1 =	seq.s32 @!p0 s26, $0x0;
	s0 =	sadd.s32 @!p0 $0x8100, s29;
	s29 =	simm.s32 @!p0 $0x12800  }
0x66: {  	[tilespmem:s29], [sflag:$0x3] =	stream.indirect.gather @!p0 [hbm4b:s4+s31], $0x80, s0, s31, $0xb8;
	[tilespmem:$0x17800] =	vst v63  }
0x67: {  	p0 =	por p0, !p1  }
0x68: {  	_ =	swait.ge @p0 [sflag:s24], $0x1400  }
0x69: {  	[sflag:s24] =	ssyncset.done @p0 $0x0  }
0x6a: {  	s29 =	simm.s32 $0x0;
	[sflag:s24] =	ssyncadd.s32 @p0 $0xFFFFEC00  }
0x6b: {  	v0 =	vld [tilespmem:s29+$0x11470]  }
0x6c: {  	v1 =	vld [tilespmem:s29+$0x13C70]  }
0x6d: {  	v2 =	vld [tilespmem:s29+$0x11400]  }
0x6e: {  	v3 =	vld [tilespmem:s29+$0x13C00]  }
0x6f: {  	v4 =	vld [tilespmem:s29+$0x11410]  }
0x70: {  	v5 =	vld [tilespmem:s29+$0x13C10]  }
0x71: {  	v6 =	vld [tilespmem:s29+$0x11420]  }
0x72: {  	v7 =	vld [tilespmem:s29+$0x11430]  }
0x73: {  	v0 =	vadd.f32 v1, v0;
	v1 =	vld [tilespmem:s29+$0x13C20]  }
0x74: {  	v8 =	vld [tilespmem:s29+$0x13C30]  }
0x75: {  	v9 =	vld [tilespmem:s29+$0x13C40];
	v2 =	vadd.f32 v3, v2  }
0x76: {  	[tilespmem:s29+$0x16470] =	vst v0;
	v0 =	vadd.f32 v5, v4;
	v5 =	vld [tilespmem:s29+$0x11440]  }
0x77: {  	v3 =	vld [tilespmem:s29+$0x13C50];
	[tilespmem:s29+$0x16400] =	vst v2  }
0x78: {  	v2 =	vld [tilespmem:s29+$0x11450];
	[tilespmem:s29+$0x16410] =	vst v0;
	v0 =	vadd.f32 v1, v6  }
0x79: {  	v4 =	vld [tilespmem:s29+$0x13C60];
	v6 =	vadd.f32 v8, v7  }
0x7a: {  	s30 =	simm.s32 $0x80;
	[tilespmem:s29+$0x16420] =	vst v0;
	v0 =	vld [tilespmem:s29+$0x11460]  }
0x7b: {  	s26 =	sadd.s32 $0x1, s26;
	s31 =	simm.s32 $0x400;
	v5 =	vadd.f32 v9, v5;
	v1 =	vld [tilespmem:s30+$0x11470];
	[tilespmem:s29+$0x16430] =	vst v6  }
.LBB2_5:
0x7c: {  	p0 =	sne.s32 s31, $0x4E00;
	v6 =	vld [tilespmem:s30+$0x13C70]  }
0x7d: {  	v7 =	vld [tilespmem:s30+$0x11400];
	[tilespmem:s29+$0x16440] =	vst v5;
	v2 =	vadd.f32 v3, v2  }
0x7e: {  	v3 =	vld [tilespmem:s30+$0x13C00]  }
0x7f: {  	v5 =	vld [tilespmem:s30+$0x11410];
	[tilespmem:s29+$0x16450] =	vst v2;
	v0 =	vadd.f32 v4, v0  }
0x80: {  	v2 =	vld [tilespmem:s30+$0x13C10]  }
0x81: {  	v4 =	vld [tilespmem:s30+$0x11420];
	v1 =	vadd.f32 v6, v1;
	[tilespmem:s29+$0x16460] =	vst v0;
	s29 =	smov.u32 s30  }
0x82: {  	v0 =	vld [tilespmem:s29+$0x13C20]  }
0x83: {  	v3 =	vadd.f32 v3, v7;
	v6 =	vld [tilespmem:s29+$0x11430];
	[tilespmem:s29+$0x16470] =	vst v1  }
0x84: {  	v1 =	vld [tilespmem:s29+$0x13C30]  }
0x85: {  	[tilespmem:s29+$0x16400] =	vst v3;
	v2 =	vadd.f32 v2, v5;
	v5 =	vld [tilespmem:s29+$0x11440]  }
0x86: {  	v7 =	vld [tilespmem:s29+$0x13C40]  }
.Ltmp1:
0x87: {  	[tilespmem:s29+$0x16410] =	vst v2;
	v0 =	vadd.f32 v0, v4;
	v2 =	vld [tilespmem:s29+$0x11450];
	(pc) =	sbr.rel @p0 .LBB2_5-.Ltmp1, $4  }
0x88: {  	v3 =	vld [tilespmem:s29+$0x13C50]  }
0x89: {  	[tilespmem:s29+$0x16420] =	vst v0;
	v6 =	vadd.f32 v1, v6;
	v0 =	vld [tilespmem:s29+$0x11460]  }
0x8a: {  	s30 =	sshra.s32 s31, $0x2;
	v4 =	vld [tilespmem:s29+$0x13C60]  }
0x8b: {  	s31 =	sadd.s32 $0x200, s31;
	v1 =	vld [tilespmem:s30+$0x11470];
	[tilespmem:s29+$0x16430] =	vst v6;
	v5 =	vadd.f32 v7, v5  }
0x8c: {  	v6 =	vld [tilespmem:s30+$0x13C70]  }
0x8d: {  	v7 =	vld [tilespmem:s30+$0x11400];
	[tilespmem:s29+$0x16440] =	vst v5;
	v2 =	vadd.f32 v3, v2  }
0x8e: {  	v51 =	vld [tilespmem:s30+$0x13C00]  }
0x8f: {  	v5 =	vld [tilespmem:s30+$0x11410];
	[tilespmem:s29+$0x16450] =	vst v2;
	v0 =	vadd.f32 v4, v0  }
0x90: {  	v2 =	vld [tilespmem:s30+$0x13C10]  }
0x91: {  	v52 =	vld [tilespmem:s30+$0x11420];
	[tilespmem:s29+$0x16460] =	vst v0  }
0x92: {  	v54 =	vld [tilespmem:s30+$0x13C20]  }
0x93: {  	v55 =	vld [tilespmem:s30+$0x11430]  }
0x94: {  	v56 =	vld [tilespmem:s30+$0x13C30]  }
0x95: {  	v57 =	vld [tilespmem:s30+$0x11440]  }
0x96: {  	v58 =	vld [tilespmem:s30+$0x13C40]  }
0x97: {  	v59 =	vld [tilespmem:s30+$0x11450]  }
0x98: {  	v53 =	vadd.f32 v6, v1;
	v60 =	vld [tilespmem:s30+$0x13C50]  }
0x99: {  	v61 =	vld [tilespmem:s30+$0x11460];
	v3 =	vadd.f32 v51, v7  }
0x9a: {  	v62 =	vld [tilespmem:s30+$0x13C60];
	[tilespmem:s30+$0x16470] =	vst v53;
	v2 =	vadd.f32 v2, v5  }
0x9b: {  	[tilespmem:s30+$0x16400] =	vst v3;
	v1 =	vadd.f32 v54, v52  }
0x9c: {  	[tilespmem:s30+$0x16410] =	vst v2;
	v0 =	vadd.f32 v56, v55  }
0x9d: {  	s0 =	smul.u32 $0x28, s28;
	p0 =	sne.s32 s26, $0x7D;
	v3 =	vadd.f32 v58, v57;
	[tilespmem:s30+$0x16420] =	vst v1  }
.Ltmp2:
0x9e: {  	v63 =	vadd.f32 v60, v59;
	[tilespmem:s30+$0x16430] =	vst v0;
	(pc) =	sbr.rel @p0 .LBB2_2-.Ltmp2, $4  }
0x9f: {  	s0 =	sadd.s32 s6, s0;
	[tilespmem:s30+$0x16440] =	vst v3;
	v1 =	vadd.f32 v62, v61  }
0xa0: {  	s0 =	sshll.u32 s0, $0x4;
	[tilespmem:s30+$0x16450] =	vst v63  }
0xa1: {  	s0 =	sadd.s32 s5, s0;
	[tilespmem:s30+$0x16460] =	vst v1  }
0xa2: {  	[hbm4b:s0+s3] =	stream.linear.scatter [tilespmem:s22], [sflag:$0x6], $0x1400, $0x38;
	[tilespmem:$0x17800] =	vst v63  }
0xa3: {  	s25 =	sadd.s32 $0x1, s25  }
0xa4: {  	_ =	swait.ge [sflag:s23], $0x1400;
	p0 =	sne.s32 s25, s9  }
.Ltmp3:
0xa5: {  	[sflag:s23] =	ssyncset.done $0x0;
	(pc) =	sbr.rel @p0 .LBB2_1-.Ltmp3, $4  }
0xa6: {  	[sflag:s23] =	ssyncadd.s32 $0xFFFFEC00  }
0xa7: {  	_ =	swait.ge [sflag:s24], $0x1400  }
0xa8: {  	[sflag:s24] =	ssyncset.done $0x0  }
0xa9: {  	[sflag:s24] =	ssyncadd.s32 $0xFFFFEC00  }
0xaa: {  	_ =	sfence.sel $0x180000  }
0xab: {  	[bflag:$0x0] =	sbarrier.arrive $0xFFFF  }
0xac: {  	_ =	strace $0x90000047  }
0xad: {  	[bflag:$0x2] =	sbarrier.arrive $0xFFFF  }
0xae: {  	p0 =	sne.s32 s2, $0x0;
	s0 =	rddreg [dreg:$0x3]  }
0xaf: {  	s0 =	sadd.s32 @!p0 $0x100000, s0  }
0xb0: {  	[sflag:s0] =	ssyncadd.tile.s32 @!p0 $0x1;
	_ =	shalt  }
.Lfunc_end2:
_tile_overlayer_lowered:
.L_overlay_start_2:
0xb1: {  	(tag) =	ssettag $0x2  }
0xb2: {  	s0 =	rddreg [dreg:$0x0];
	s2 =	stileid.u32  }
0xb3: {  	s1 =	rddreg [dreg:$0x1];
	p0 =	sne.s32 s2, $0x0  }
0xb4: {  	s3 =	rddreg [dreg:$0x2];
	[bflag:$0x3] =	sbarrier.arrive $0xFFFF;
	s2 =	simm.s32 @!p0 $0x1C07  }
0xb5: {  	[timem:s3], [sflag:s2] =	dma.local @!p0 [hbm:s0], s1  }
0xb6: {  	s0 =	simm.s32 @!p0 $0x7  }
0xb7: {  	_ =	swait.ge @!p0 [sflag:s0], s1  }
0xb8: {  	s1 =	ssub.s32 @!p0 $0x0, s1;
	[sflag:s0] =	ssyncset.done @!p0 $0x0  }
0xb9: {  	[sflag:s0] =	ssyncadd.s32 @!p0 s1  }
0xba: {  	[bflag:$0x3] =	sbarrier.arrive $0xFFFF  }
0xbb: {  	_ =	shalt  }

</sc_bundles>
